<compile_context>
chip_gen: v7x
topology: tpu7x:2x2x1
jax: 0.10.2.dev20260603
libtpu: 0.0.44.dev20260713+nightly
codegen_flags: <defaults>
</compile_context>

<pallas_src>
import functools

import jax
import jax.numpy as jnp
from jax import lax
from jax.experimental import pallas as pl
from jax.experimental.pallas import tpu as pltpu
from jax.experimental.pallas import tpu_sc as plsc

_NUM_CLASSES = 12
_FEATS = 16

_AGENT_SET = (1, 4, 5, 6, 7, 8, 9, 11)
_BOX_SET = (2, 5, 8, 9, 10, 11)
_TARGET_SET = (3, 6, 7, 8, 9, 10)
_CARRY_SET = (4, 7, 9, 11)

_SEM_COLS = [[1.0 if v in s else 0.0 for s in
              (_AGENT_SET, _BOX_SET, _TARGET_SET, _CARRY_SET)]
             for v in range(_NUM_CLASSES)]

_NC = 2
_NS = 16
_NW = _NC * _NS

_CHUNK = 2048
_GROUP = 128


def _sc_kernel(n):
    mesh = plsc.VectorSubcoreMesh(core_axis_name="c", subcore_axis_name="s")
    b_per_w = n // _NW

    @functools.partial(
        pl.kernel, mesh=mesh,
        out_type=jax.ShapeDtypeStruct((n, _FEATS), jnp.float32),
        scratch_types=[
            pltpu.VMEM((_CHUNK,), jnp.int32),
            pltpu.VMEM((_CHUNK, _FEATS), jnp.float32),
            pltpu.SemaphoreType.DMA,
        ],
        compiler_params=pltpu.CompilerParams(use_tc_tiling_on_sc=False),
    )
    def k(lut_hbm, idx_hbm, out_hbm, idx_v, rows_v, sem):
        wid = lax.axis_index("s") * _NC + lax.axis_index("c")
        base = wid * b_per_w

        def body(i, carry):
            o = base + i * _CHUNK
            pltpu.sync_copy(idx_hbm.at[pl.ds(o, _CHUNK)], idx_v)
            copies = []
            for j in range(_CHUNK // _GROUP):
                copies.append(pltpu.async_copy(
                    lut_hbm.at[idx_v.at[pl.ds(j * _GROUP, _GROUP)]],
                    rows_v.at[pl.ds(j * _GROUP, _GROUP)], sem))
            for cp in copies:
                cp.wait()
            pltpu.sync_copy(rows_v, out_hbm.at[pl.ds(o, _CHUNK)])
            return carry

        lax.fori_loop(0, b_per_w // _CHUNK, body, 0)

    return k


def kernel(x, table):
    b, c = x.shape
    n = b * c
    lut = jnp.concatenate(
        [table.astype(jnp.float32),
         jnp.asarray(_SEM_COLS, dtype=jnp.float32)], axis=1)
    out = _sc_kernel(n)(lut, x.reshape(n))
    return out.reshape(b, c, _FEATS)

# --- scband reference (transcript-rebuilt; emitter-appended) ---
"""Pipeline reference for scband-one-hot-semantic-encoder-14628658610422 (READ-ONLY COPY).

The authoritative reference and input builder live on the scoring server;
editing this copy changes nothing except your own understanding.
"""

import jax, jax.numpy as jnp
import numpy as np

# GridStatesEnum values (12 states, ids 0..11)
EMPTY = 0
AGENT = 1
BOX = 2
TARGET = 3
AGENT_CARRYING_BOX = 4
AGENT_ON_BOX = 5
AGENT_ON_TARGET = 6
AGENT_ON_TARGET_CARRYING_BOX = 7
AGENT_ON_TARGET_WITH_BOX = 8
AGENT_ON_TARGET_WITH_BOX_CARRYING_BOX = 9
BOX_ON_TARGET = 10
AGENT_ON_BOX_CARRYING_BOX = 11

NUM_CLASSES = 12
BATCH = 16384
CELLS = 256  # 16x16 grid


def setup_inputs(seed: int = 0) -> dict:
    key = jax.random.key(seed)
    kx = jax.random.fold_in(key, 0)
    x = jax.random.randint(kx, (BATCH, CELLS), 0, NUM_CLASSES, dtype=jnp.int32)
    # the one-hot lookup table jnp.eye(num_classes) materialized as an explicit param
    table = jnp.eye(NUM_CLASSES, dtype=jnp.float32)
    return {"x": x, "table": table}


def reference(x, table):
    x_int = x.astype(jnp.int32)
    x_int = jnp.clip(x_int, 0, NUM_CLASSES - 1)
    # one-hot via row-gather from identity table (== jnp.eye(num_classes)[x_int])
    one_hot = jnp.take(table, x_int, axis=0).astype(jnp.float32)
    cell = x_int
    has_agent = ((cell == AGENT) | (cell == AGENT_CARRYING_BOX) | (cell == AGENT_ON_BOX) |
                 (cell == AGENT_ON_TARGET) | (cell == AGENT_ON_TARGET_CARRYING_BOX) |
                 (cell == AGENT_ON_TARGET_WITH_BOX) | (cell == AGENT_ON_TARGET_WITH_BOX_CARRYING_BOX) |
                 (cell == AGENT_ON_BOX_CARRYING_BOX))
    has_box = ((cell == BOX) | (cell == AGENT_ON_BOX) | (cell == AGENT_ON_TARGET_WITH_BOX) |
               (cell == AGENT_ON_TARGET_WITH_BOX_CARRYING_BOX) | (cell == BOX_ON_TARGET) |
               (cell == AGENT_ON_BOX_CARRYING_BOX))
    has_target = ((cell == TARGET) | (cell == AGENT_ON_TARGET) | (cell == AGENT_ON_TARGET_CARRYING_BOX) |
                  (cell == AGENT_ON_TARGET_WITH_BOX) | (cell == AGENT_ON_TARGET_WITH_BOX_CARRYING_BOX) |
                  (cell == BOX_ON_TARGET))
    carrying_box = ((cell == AGENT_CARRYING_BOX) | (cell == AGENT_ON_TARGET_CARRYING_BOX) |
                    (cell == AGENT_ON_TARGET_WITH_BOX_CARRYING_BOX) | (cell == AGENT_ON_BOX_CARRYING_BOX))
    semantic = jnp.stack([has_agent.astype(jnp.float32), has_box.astype(jnp.float32),
                          has_target.astype(jnp.float32), carrying_box.astype(jnp.float32)], axis=-1)
    return jnp.concatenate([one_hot, semantic], axis=-1)

if __name__ == "__main__":
    import jax
    _d = setup_inputs()
    print(jax.jit(kernel)(*tuple(_d.values())))

</pallas_src>

<mosaic_0001>
#map = affine_map<(d0, d1) -> (0, 0)>
#map1 = affine_map<(d0, d1) -> (0)>
module attributes {stable_mosaic.version = 14 : i64} {
  func.func @k(%arg0: i32, %arg1: i32, %arg2: memref<12x16xf32, #tpu.memory_space<hbm>>, %arg3: memref<4194304xi32, #tpu.memory_space<hbm>>, %arg4: memref<4194304x16xf32, #tpu.memory_space<hbm>>, %arg5: memref<2048xi32, #tpu.memory_space<vmem>>, %arg6: memref<2048x16xf32, #tpu.memory_space<vmem>>, %arg7: memref<!tpu.dma_semaphore, #tpu.memory_space<semaphore_mem>>) attributes {dimension_semantics = [#tpu.dimension_semantics<core_parallel>, #tpu.dimension_semantics<subcore_parallel>], iteration_bounds = array<i64: 2, 16>, scalar_prefetch = 0 : i64, scratch_operands = 3 : i64, tpu.core_type = #tpu.core_type<sc_vector_subcore>, window_params = [{transform_indices = #map}, {transform_indices = #map1}, {transform_indices = #map}]} {
    %mul3A = arith.constant 2 : i32
    %mul3A_0 = arith.muli %arg1, %mul3A : i32
    %add3A = arith.addi %mul3A_0, %arg0 : i32
    %mul3A_1 = arith.constant 131072 : i32
    %mul3A_2 = arith.muli %add3A, %mul3A_1 : i32
    %scan3A = arith.constant 0 : i32
    %scan3A_3 = arith.constant 0 : i32
    %scan3A_4 = arith.constant 64 : i32
    %scan3A_5 = arith.addi %scan3A_3, %scan3A_4 : i32
    %scan3A_6 = arith.constant 1 : i32
    scf.for %scan3A_8 = %scan3A_3 to %scan3A_5 step %scan3A_6  : i32 {
      %mul3A_9 = arith.constant 2048 : i32
      %mul3A_10 = arith.muli %scan3A_8, %mul3A_9 : i32
      %add3A_11 = arith.addi %mul3A_2, %mul3A_10 : i32
      "tpu.region"() ({
        %run_scoped3A = tpu.sem_alloc : memref<!tpu.dma_semaphore, #tpu.memory_space<semaphore_mem>>
        %dma_start3A_266 = tpu.memref_slice %arg3[%add3A_11] : memref<4194304xi32, #tpu.memory_space<hbm>> -> memref<2048xi32, #tpu.memory_space<hbm>>
        %dma_start3A_267 = tpu.memref_slice %arg3[%add3A_11] : memref<4194304xi32, #tpu.memory_space<hbm>> -> memref<2048xi32, #tpu.memory_space<hbm>>
        tpu.enqueue_dma source(%dma_start3A_267 : memref<2048xi32, #tpu.memory_space<hbm>>) target(%arg5 : memref<2048xi32, #tpu.memory_space<vmem>>) target_semaphore(%run_scoped3A : memref<!tpu.dma_semaphore, #tpu.memory_space<semaphore_mem>>)
        %dma_wait3A_268 = tpu.memref_slice %arg3[%add3A_11] : memref<4194304xi32, #tpu.memory_space<hbm>> -> memref<2048xi32, #tpu.memory_space<hbm>>
        %dma_wait3A_269 = tpu.memref_slice %arg3[%add3A_11] : memref<4194304xi32, #tpu.memory_space<hbm>> -> memref<2048xi32, #tpu.memory_space<hbm>>
        tpu.wait_dma2 semaphore(%run_scoped3A : memref<!tpu.dma_semaphore, #tpu.memory_space<semaphore_mem>>) src(%dma_wait3A_269 : memref<2048xi32, #tpu.memory_space<hbm>>) dst(%arg5 : memref<2048xi32, #tpu.memory_space<vmem>>)
        tpu.yield
      }) : () -> ()
      %dma_start3A = arith.constant 0 : i32
      %dma_start3A_12 = arith.constant 0 : i32
      %dma_start3A_13 = tpu.memref_slice %arg6[%dma_start3A, %dma_start3A_12] : memref<2048x16xf32, #tpu.memory_space<vmem>> -> memref<128x16xf32, #tpu.memory_space<vmem>>
      %dma_start3A_14 = arith.constant 0 : i32
      %dma_start3A_15 = tpu.memref_slice %arg5[%dma_start3A_14] : memref<2048xi32, #tpu.memory_space<vmem>> -> memref<128xi32, #tpu.memory_space<vmem>>
      %dma_start3A_16 = arith.constant 0 : i32
      %dma_start3A_17 = arith.constant 0 : i32
      %dma_start3A_18 = tpu.memref_slice %arg2[%dma_start3A_16, %dma_start3A_17] : memref<12x16xf32, #tpu.memory_space<hbm>> -> memref<12x16xf32, #tpu.memory_space<hbm>>
      tpu.enqueue_indirect_dma source(%dma_start3A_18 : memref<12x16xf32, #tpu.memory_space<hbm>>) target(%dma_start3A_13 : memref<128x16xf32, #tpu.memory_space<vmem>>) offsets(%dma_start3A_15 : memref<128xi32, #tpu.memory_space<vmem>>) semaphore(%arg7 : memref<!tpu.dma_semaphore, #tpu.memory_space<semaphore_mem>>)
      %dma_start3A_19 = arith.constant 128 : i32
      %dma_start3A_20 = arith.constant 0 : i32
      %dma_start3A_21 = tpu.memref_slice %arg6[%dma_start3A_19, %dma_start3A_20] : memref<2048x16xf32, #tpu.memory_space<vmem>> -> memref<128x16xf32, #tpu.memory_space<vmem>>
      %dma_start3A_22 = arith.constant 128 : i32
      %dma_start3A_23 = tpu.memref_slice %arg5[%dma_start3A_22] : memref<2048xi32, #tpu.memory_space<vmem>> -> memref<128xi32, #tpu.memory_space<vmem>>
      %dma_start3A_24 = arith.constant 0 : i32
      %dma_start3A_25 = arith.constant 0 : i32
      %dma_start3A_26 = tpu.memref_slice %arg2[%dma_start3A_24, %dma_start3A_25] : memref<12x16xf32, #tpu.memory_space<hbm>> -> memref<12x16xf32, #tpu.memory_space<hbm>>
      tpu.enqueue_indirect_dma source(%dma_start3A_26 : memref<12x16xf32, #tpu.memory_space<hbm>>) target(%dma_start3A_21 : memref<128x16xf32, #tpu.memory_space<vmem>>) offsets(%dma_start3A_23 : memref<128xi32, #tpu.memory_space<vmem>>) semaphore(%arg7 : memref<!tpu.dma_semaphore, #tpu.memory_space<semaphore_mem>>)
      %dma_start3A_27 = arith.constant 256 : i32
      %dma_start3A_28 = arith.constant 0 : i32
      %dma_start3A_29 = tpu.memref_slice %arg6[%dma_start3A_27, %dma_start3A_28] : memref<2048x16xf32, #tpu.memory_space<vmem>> -> memref<128x16xf32, #tpu.memory_space<vmem>>
      %dma_start3A_30 = arith.constant 256 : i32
      %dma_start3A_31 = tpu.memref_slice %arg5[%dma_start3A_30] : memref<2048xi32, #tpu.memory_space<vmem>> -> memref<128xi32, #tpu.memory_space<vmem>>
      %dma_start3A_32 = arith.constant 0 : i32
      %dma_start3A_33 = arith.constant 0 : i32
      %dma_start3A_34 = tpu.memref_slice %arg2[%dma_start3A_32, %dma_start3A_33] : memref<12x16xf32, #tpu.memory_space<hbm>> -> memref<12x16xf32, #tpu.memory_space<hbm>>
      tpu.enqueue_indirect_dma source(%dma_start3A_34 : memref<12x16xf32, #tpu.memory_space<hbm>>) target(%dma_start3A_29 : memref<128x16xf32, #tpu.memory_space<vmem>>) offsets(%dma_start3A_31 : memref<128xi32, #tpu.memory_space<vmem>>) semaphore(%arg7 : memref<!tpu.dma_semaphore, #tpu.memory_space<semaphore_mem>>)
      %dma_start3A_35 = arith.constant 384 : i32
      %dma_start3A_36 = arith.constant 0 : i32
      %dma_start3A_37 = tpu.memref_slice %arg6[%dma_start3A_35, %dma_start3A_36] : memref<2048x16xf32, #tpu.memory_space<vmem>> -> memref<128x16xf32, #tpu.memory_space<vmem>>
      %dma_start3A_38 = arith.constant 384 : i32
      %dma_start3A_39 = tpu.memref_slice %arg5[%dma_start3A_38] : memref<2048xi32, #tpu.memory_space<vmem>> -> memref<128xi32, #tpu.memory_space<vmem>>
      %dma_start3A_40 = arith.constant 0 : i32
      %dma_start3A_41 = arith.constant 0 : i32
      %dma_start3A_42 = tpu.memref_slice %arg2[%dma_start3A_40, %dma_start3A_41] : memref<12x16xf32, #tpu.memory_space<hbm>> -> memref<12x16xf32, #tpu.memory_space<hbm>>
      tpu.enqueue_indirect_dma source(%dma_start3A_42 : memref<12x16xf32, #tpu.memory_space<hbm>>) target(%dma_start3A_37 : memref<128x16xf32, #tpu.memory_space<vmem>>) offsets(%dma_start3A_39 : memref<128xi32, #tpu.memory_space<vmem>>) semaphore(%arg7 : memref<!tpu.dma_semaphore, #tpu.memory_space<semaphore_mem>>)
      %dma_start3A_43 = arith.constant 512 : i32
      %dma_start3A_44 = arith.constant 0 : i32
      %dma_start3A_45 = tpu.memref_slice %arg6[%dma_start3A_43, %dma_start3A_44] : memref<2048x16xf32, #tpu.memory_space<vmem>> -> memref<128x16xf32, #tpu.memory_space<vmem>>
      %dma_start3A_46 = arith.constant 512 : i32
      %dma_start3A_47 = tpu.memref_slice %arg5[%dma_start3A_46] : memref<2048xi32, #tpu.memory_space<vmem>> -> memref<128xi32, #tpu.memory_space<vmem>>
      %dma_start3A_48 = arith.constant 0 : i32
      %dma_start3A_49 = arith.constant 0 : i32
      %dma_start3A_50 = tpu.memref_slice %arg2[%dma_start3A_48, %dma_start3A_49] : memref<12x16xf32, #tpu.memory_space<hbm>> -> memref<12x16xf32, #tpu.memory_space<hbm>>
      tpu.enqueue_indirect_dma source(%dma_start3A_50 : memref<12x16xf32, #tpu.memory_space<hbm>>) target(%dma_start3A_45 : memref<128x16xf32, #tpu.memory_space<vmem>>) offsets(%dma_start3A_47 : memref<128xi32, #tpu.memory_space<vmem>>) semaphore(%arg7 : memref<!tpu.dma_semaphore, #tpu.memory_space<semaphore_mem>>)
      %dma_start3A_51 = arith.constant 640 : i32
      %dma_start3A_52 = arith.constant 0 : i32
      %dma_start3A_53 = tpu.memref_slice %arg6[%dma_start3A_51, %dma_start3A_52] : memref<2048x16xf32, #tpu.memory_space<vmem>> -> memref<128x16xf32, #tpu.memory_space<vmem>>
      %dma_start3A_54 = arith.constant 640 : i32
      %dma_start3A_55 = tpu.memref_slice %arg5[%dma_start3A_54] : memref<2048xi32, #tpu.memory_space<vmem>> -> memref<128xi32, #tpu.memory_space<vmem>>
      %dma_start3A_56 = arith.constant 0 : i32
      %dma_start3A_57 = arith.constant 0 : i32
      %dma_start3A_58 = tpu.memref_slice %arg2[%dma_start3A_56, %dma_start3A_57] : memref<12x16xf32, #tpu.memory_space<hbm>> -> memref<12x16xf32, #tpu.memory_space<hbm>>
      tpu.enqueue_indirect_dma source(%dma_start3A_58 : memref<12x16xf32, #tpu.memory_space<hbm>>) target(%dma_start3A_53 : memref<128x16xf32, #tpu.memory_space<vmem>>) offsets(%dma_start3A_55 : memref<128xi32, #tpu.memory_space<vmem>>) semaphore(%arg7 : memref<!tpu.dma_semaphore, #tpu.memory_space<semaphore_mem>>)
      %dma_start3A_59 = arith.constant 768 : i32
      %dma_start3A_60 = arith.constant 0 : i32
      %dma_start3A_61 = tpu.memref_slice %arg6[%dma_start3A_59, %dma_start3A_60] : memref<2048x16xf32, #tpu.memory_space<vmem>> -> memref<128x16xf32, #tpu.memory_space<vmem>>
      %dma_start3A_62 = arith.constant 768 : i32
      %dma_start3A_63 = tpu.memref_slice %arg5[%dma_start3A_62] : memref<2048xi32, #tpu.memory_space<vmem>> -> memref<128xi32, #tpu.memory_space<vmem>>
      %dma_start3A_64 = arith.constant 0 : i32
      %dma_start3A_65 = arith.constant 0 : i32
      %dma_start3A_66 = tpu.memref_slice %arg2[%dma_start3A_64, %dma_start3A_65] : memref<12x16xf32, #tpu.memory_space<hbm>> -> memref<12x16xf32, #tpu.memory_space<hbm>>
      tpu.enqueue_indirect_dma source(%dma_start3A_66 : memref<12x16xf32, #tpu.memory_space<hbm>>) target(%dma_start3A_61 : memref<128x16xf32, #tpu.memory_space<vmem>>) offsets(%dma_start3A_63 : memref<128xi32, #tpu.memory_space<vmem>>) semaphore(%arg7 : memref<!tpu.dma_semaphore, #tpu.memory_space<semaphore_mem>>)
      %dma_start3A_67 = arith.constant 896 : i32
      %dma_start3A_68 = arith.constant 0 : i32
      %dma_start3A_69 = tpu.memref_slice %arg6[%dma_start3A_67, %dma_start3A_68] : memref<2048x16xf32, #tpu.memory_space<vmem>> -> memref<128x16xf32, #tpu.memory_space<vmem>>
      %dma_start3A_70 = arith.constant 896 : i32
      %dma_start3A_71 = tpu.memref_slice %arg5[%dma_start3A_70] : memref<2048xi32, #tpu.memory_space<vmem>> -> memref<128xi32, #tpu.memory_space<vmem>>
      %dma_start3A_72 = arith.constant 0 : i32
      %dma_start3A_73 = arith.constant 0 : i32
      %dma_start3A_74 = tpu.memref_slice %arg2[%dma_start3A_72, %dma_start3A_73] : memref<12x16xf32, #tpu.memory_space<hbm>> -> memref<12x16xf32, #tpu.memory_space<hbm>>
      tpu.enqueue_indirect_dma source(%dma_start3A_74 : memref<12x16xf32, #tpu.memory_space<hbm>>) target(%dma_start3A_69 : memref<128x16xf32, #tpu.memory_space<vmem>>) offsets(%dma_start3A_71 : memref<128xi32, #tpu.memory_space<vmem>>) semaphore(%arg7 : memref<!tpu.dma_semaphore, #tpu.memory_space<semaphore_mem>>)
      %dma_start3A_75 = arith.constant 1024 : i32
      %dma_start3A_76 = arith.constant 0 : i32
      %dma_start3A_77 = tpu.memref_slice %arg6[%dma_start3A_75, %dma_start3A_76] : memref<2048x16xf32, #tpu.memory_space<vmem>> -> memref<128x16xf32, #tpu.memory_space<vmem>>
      %dma_start3A_78 = arith.constant 1024 : i32
      %dma_start3A_79 = tpu.memref_slice %arg5[%dma_start3A_78] : memref<2048xi32, #tpu.memory_space<vmem>> -> memref<128xi32, #tpu.memory_space<vmem>>
      %dma_start3A_80 = arith.constant 0 : i32
      %dma_start3A_81 = arith.constant 0 : i32
      %dma_start3A_82 = tpu.memref_slice %arg2[%dma_start3A_80, %dma_start3A_81] : memref<12x16xf32, #tpu.memory_space<hbm>> -> memref<12x16xf32, #tpu.memory_space<hbm>>
      tpu.enqueue_indirect_dma source(%dma_start3A_82 : memref<12x16xf32, #tpu.memory_space<hbm>>) target(%dma_start3A_77 : memref<128x16xf32, #tpu.memory_space<vmem>>) offsets(%dma_start3A_79 : memref<128xi32, #tpu.memory_space<vmem>>) semaphore(%arg7 : memref<!tpu.dma_semaphore, #tpu.memory_space<semaphore_mem>>)
      %dma_start3A_83 = arith.constant 1152 : i32
      %dma_start3A_84 = arith.constant 0 : i32
      %dma_start3A_85 = tpu.memref_slice %arg6[%dma_start3A_83, %dma_start3A_84] : memref<2048x16xf32, #tpu.memory_space<vmem>> -> memref<128x16xf32, #tpu.memory_space<vmem>>
      %dma_start3A_86 = arith.constant 1152 : i32
      %dma_start3A_87 = tpu.memref_slice %arg5[%dma_start3A_86] : memref<2048xi32, #tpu.memory_space<vmem>> -> memref<128xi32, #tpu.memory_space<vmem>>
      %dma_start3A_88 = arith.constant 0 : i32
      %dma_start3A_89 = arith.constant 0 : i32
      %dma_start3A_90 = tpu.memref_slice %arg2[%dma_start3A_88, %dma_start3A_89] : memref<12x16xf32, #tpu.memory_space<hbm>> -> memref<12x16xf32, #tpu.memory_space<hbm>>
      tpu.enqueue_indirect_dma source(%dma_start3A_90 : memref<12x16xf32, #tpu.memory_space<hbm>>) target(%dma_start3A_85 : memref<128x16xf32, #tpu.memory_space<vmem>>) offsets(%dma_start3A_87 : memref<128xi32, #tpu.memory_space<vmem>>) semaphore(%arg7 : memref<!tpu.dma_semaphore, #tpu.memory_space<semaphore_mem>>)
      %dma_start3A_91 = arith.constant 1280 : i32
      %dma_start3A_92 = arith.constant 0 : i32
      %dma_start3A_93 = tpu.memref_slice %arg6[%dma_start3A_91, %dma_start3A_92] : memref<2048x16xf32, #tpu.memory_space<vmem>> -> memref<128x16xf32, #tpu.memory_space<vmem>>
      %dma_start3A_94 = arith.constant 1280 : i32
      %dma_start3A_95 = tpu.memref_slice %arg5[%dma_start3A_94] : memref<2048xi32, #tpu.memory_space<vmem>> -> memref<128xi32, #tpu.memory_space<vmem>>
      %dma_start3A_96 = arith.constant 0 : i32
      %dma_start3A_97 = arith.constant 0 : i32
      %dma_start3A_98 = tpu.memref_slice %arg2[%dma_start3A_96, %dma_start3A_97] : memref<12x16xf32, #tpu.memory_space<hbm>> -> memref<12x16xf32, #tpu.memory_space<hbm>>
      tpu.enqueue_indirect_dma source(%dma_start3A_98 : memref<12x16xf32, #tpu.memory_space<hbm>>) target(%dma_start3A_93 : memref<128x16xf32, #tpu.memory_space<vmem>>) offsets(%dma_start3A_95 : memref<128xi32, #tpu.memory_space<vmem>>) semaphore(%arg7 : memref<!tpu.dma_semaphore, #tpu.memory_space<semaphore_mem>>)
      %dma_start3A_99 = arith.constant 1408 : i32
      %dma_start3A_100 = arith.constant 0 : i32
      %dma_start3A_101 = tpu.memref_slice %arg6[%dma_start3A_99, %dma_start3A_100] : memref<2048x16xf32, #tpu.memory_space<vmem>> -> memref<128x16xf32, #tpu.memory_space<vmem>>
      %dma_start3A_102 = arith.constant 1408 : i32
      %dma_start3A_103 = tpu.memref_slice %arg5[%dma_start3A_102] : memref<2048xi32, #tpu.memory_space<vmem>> -> memref<128xi32, #tpu.memory_space<vmem>>
      %dma_start3A_104 = arith.constant 0 : i32
      %dma_start3A_105 = arith.constant 0 : i32
      %dma_start3A_106 = tpu.memref_slice %arg2[%dma_start3A_104, %dma_start3A_105] : memref<12x16xf32, #tpu.memory_space<hbm>> -> memref<12x16xf32, #tpu.memory_space<hbm>>
      tpu.enqueue_indirect_dma source(%dma_start3A_106 : memref<12x16xf32, #tpu.memory_space<hbm>>) target(%dma_start3A_101 : memref<128x16xf32, #tpu.memory_space<vmem>>) offsets(%dma_start3A_103 : memref<128xi32, #tpu.memory_space<vmem>>) semaphore(%arg7 : memref<!tpu.dma_semaphore, #tpu.memory_space<semaphore_mem>>)
      %dma_start3A_107 = arith.constant 1536 : i32
      %dma_start3A_108 = arith.constant 0 : i32
      %dma_start3A_109 = tpu.memref_slice %arg6[%dma_start3A_107, %dma_start3A_108] : memref<2048x16xf32, #tpu.memory_space<vmem>> -> memref<128x16xf32, #tpu.memory_space<vmem>>
      %dma_start3A_110 = arith.constant 1536 : i32
      %dma_start3A_111 = tpu.memref_slice %arg5[%dma_start3A_110] : memref<2048xi32, #tpu.memory_space<vmem>> -> memref<128xi32, #tpu.memory_space<vmem>>
      %dma_start3A_112 = arith.constant 0 : i32
      %dma_start3A_113 = arith.constant 0 : i32
      %dma_start3A_114 = tpu.memref_slice %arg2[%dma_start3A_112, %dma_start3A_113] : memref<12x16xf32, #tpu.memory_space<hbm>> -> memref<12x16xf32, #tpu.memory_space<hbm>>
      tpu.enqueue_indirect_dma source(%dma_start3A_114 : memref<12x16xf32, #tpu.memory_space<hbm>>) target(%dma_start3A_109 : memref<128x16xf32, #tpu.memory_space<vmem>>) offsets(%dma_start3A_111 : memref<128xi32, #tpu.memory_space<vmem>>) semaphore(%arg7 : memref<!tpu.dma_semaphore, #tpu.memory_space<semaphore_mem>>)
      %dma_start3A_115 = arith.constant 1664 : i32
      %dma_start3A_116 = arith.constant 0 : i32
      %dma_start3A_117 = tpu.memref_slice %arg6[%dma_start3A_115, %dma_start3A_116] : memref<2048x16xf32, #tpu.memory_space<vmem>> -> memref<128x16xf32, #tpu.memory_space<vmem>>
      %dma_start3A_118 = arith.constant 1664 : i32
      %dma_start3A_119 = tpu.memref_slice %arg5[%dma_start3A_118] : memref<2048xi32, #tpu.memory_space<vmem>> -> memref<128xi32, #tpu.memory_space<vmem>>
      %dma_start3A_120 = arith.constant 0 : i32
      %dma_start3A_121 = arith.constant 0 : i32
      %dma_start3A_122 = tpu.memref_slice %arg2[%dma_start3A_120, %dma_start3A_121] : memref<12x16xf32, #tpu.memory_space<hbm>> -> memref<12x16xf32, #tpu.memory_space<hbm>>
      tpu.enqueue_indirect_dma source(%dma_start3A_122 : memref<12x16xf32, #tpu.memory_space<hbm>>) target(%dma_start3A_117 : memref<128x16xf32, #tpu.memory_space<vmem>>) offsets(%dma_start3A_119 : memref<128xi32, #tpu.memory_space<vmem>>) semaphore(%arg7 : memref<!tpu.dma_semaphore, #tpu.memory_space<semaphore_mem>>)
      %dma_start3A_123 = arith.constant 1792 : i32
      %dma_start3A_124 = arith.constant 0 : i32
      %dma_start3A_125 = tpu.memref_slice %arg6[%dma_start3A_123, %dma_start3A_124] : memref<2048x16xf32, #tpu.memory_space<vmem>> -> memref<128x16xf32, #tpu.memory_space<vmem>>
      %dma_start3A_126 = arith.constant 1792 : i32
      %dma_start3A_127 = tpu.memref_slice %arg5[%dma_start3A_126] : memref<2048xi32, #tpu.memory_space<vmem>> -> memref<128xi32, #tpu.memory_space<vmem>>
      %dma_start3A_128 = arith.constant 0 : i32
      %dma_start3A_129 = arith.constant 0 : i32
      %dma_start3A_130 = tpu.memref_slice %arg2[%dma_start3A_128, %dma_start3A_129] : memref<12x16xf32, #tpu.memory_space<hbm>> -> memref<12x16xf32, #tpu.memory_space<hbm>>
      tpu.enqueue_indirect_dma source(%dma_start3A_130 : memref<12x16xf32, #tpu.memory_space<hbm>>) target(%dma_start3A_125 : memref<128x16xf32, #tpu.memory_space<vmem>>) offsets(%dma_start3A_127 : memref<128xi32, #tpu.memory_space<vmem>>) semaphore(%arg7 : memref<!tpu.dma_semaphore, #tpu.memory_space<semaphore_mem>>)
      %dma_start3A_131 = arith.constant 1920 : i32
      %dma_start3A_132 = arith.constant 0 : i32
      %dma_start3A_133 = tpu.memref_slice %arg6[%dma_start3A_131, %dma_start3A_132] : memref<2048x16xf32, #tpu.memory_space<vmem>> -> memref<128x16xf32, #tpu.memory_space<vmem>>
      %dma_start3A_134 = arith.constant 1920 : i32
      %dma_start3A_135 = tpu.memref_slice %arg5[%dma_start3A_134] : memref<2048xi32, #tpu.memory_space<vmem>> -> memref<128xi32, #tpu.memory_space<vmem>>
      %dma_start3A_136 = arith.constant 0 : i32
      %dma_start3A_137 = arith.constant 0 : i32
      %dma_start3A_138 = tpu.memref_slice %arg2[%dma_start3A_136, %dma_start3A_137] : memref<12x16xf32, #tpu.memory_space<hbm>> -> memref<12x16xf32, #tpu.memory_space<hbm>>
      tpu.enqueue_indirect_dma source(%dma_start3A_138 : memref<12x16xf32, #tpu.memory_space<hbm>>) target(%dma_start3A_133 : memref<128x16xf32, #tpu.memory_space<vmem>>) offsets(%dma_start3A_135 : memref<128xi32, #tpu.memory_space<vmem>>) semaphore(%arg7 : memref<!tpu.dma_semaphore, #tpu.memory_space<semaphore_mem>>)
      %dma_wait3A = arith.constant 0 : i32
      %dma_wait3A_139 = arith.constant 0 : i32
      %dma_wait3A_140 = tpu.memref_slice %arg6[%dma_wait3A, %dma_wait3A_139] : memref<2048x16xf32, #tpu.memory_space<vmem>> -> memref<128x16xf32, #tpu.memory_space<vmem>>
      %dma_wait3A_141 = arith.constant 0 : i32
      %dma_wait3A_142 = tpu.memref_slice %arg5[%dma_wait3A_141] : memref<2048xi32, #tpu.memory_space<vmem>> -> memref<128xi32, #tpu.memory_space<vmem>>
      %dma_wait3A_143 = arith.constant 0 : i32
      %dma_wait3A_144 = arith.constant 0 : i32
      %dma_wait3A_145 = tpu.memref_slice %arg2[%dma_wait3A_143, %dma_wait3A_144] : memref<12x16xf32, #tpu.memory_space<hbm>> -> memref<12x16xf32, #tpu.memory_space<hbm>>
      tpu.wait_indirect_dma semaphore(%arg7 : memref<!tpu.dma_semaphore, #tpu.memory_space<semaphore_mem>>) src(%dma_wait3A_145 : memref<12x16xf32, #tpu.memory_space<hbm>>) dst(%dma_wait3A_140 : memref<128x16xf32, #tpu.memory_space<vmem>>)
      %dma_wait3A_146 = arith.constant 128 : i32
      %dma_wait3A_147 = arith.constant 0 : i32
      %dma_wait3A_148 = tpu.memref_slice %arg6[%dma_wait3A_146, %dma_wait3A_147] : memref<2048x16xf32, #tpu.memory_space<vmem>> -> memref<128x16xf32, #tpu.memory_space<vmem>>
      %dma_wait3A_149 = arith.constant 128 : i32
      %dma_wait3A_150 = tpu.memref_slice %arg5[%dma_wait3A_149] : memref<2048xi32, #tpu.memory_space<vmem>> -> memref<128xi32, #tpu.memory_space<vmem>>
      %dma_wait3A_151 = arith.constant 0 : i32
      %dma_wait3A_152 = arith.constant 0 : i32
      %dma_wait3A_153 = tpu.memref_slice %arg2[%dma_wait3A_151, %dma_wait3A_152] : memref<12x16xf32, #tpu.memory_space<hbm>> -> memref<12x16xf32, #tpu.memory_space<hbm>>
      tpu.wait_indirect_dma semaphore(%arg7 : memref<!tpu.dma_semaphore, #tpu.memory_space<semaphore_mem>>) src(%dma_wait3A_153 : memref<12x16xf32, #tpu.memory_space<hbm>>) dst(%dma_wait3A_148 : memref<128x16xf32, #tpu.memory_space<vmem>>)
      %dma_wait3A_154 = arith.constant 256 : i32
      %dma_wait3A_155 = arith.constant 0 : i32
      %dma_wait3A_156 = tpu.memref_slice %arg6[%dma_wait3A_154, %dma_wait3A_155] : memref<2048x16xf32, #tpu.memory_space<vmem>> -> memref<128x16xf32, #tpu.memory_space<vmem>>
      %dma_wait3A_157 = arith.constant 256 : i32
      %dma_wait3A_158 = tpu.memref_slice %arg5[%dma_wait3A_157] : memref<2048xi32, #tpu.memory_space<vmem>> -> memref<128xi32, #tpu.memory_space<vmem>>
      %dma_wait3A_159 = arith.constant 0 : i32
      %dma_wait3A_160 = arith.constant 0 : i32
      %dma_wait3A_161 = tpu.memref_slice %arg2[%dma_wait3A_159, %dma_wait3A_160] : memref<12x16xf32, #tpu.memory_space<hbm>> -> memref<12x16xf32, #tpu.memory_space<hbm>>
      tpu.wait_indirect_dma semaphore(%arg7 : memref<!tpu.dma_semaphore, #tpu.memory_space<semaphore_mem>>) src(%dma_wait3A_161 : memref<12x16xf32, #tpu.memory_space<hbm>>) dst(%dma_wait3A_156 : memref<128x16xf32, #tpu.memory_space<vmem>>)
      %dma_wait3A_162 = arith.constant 384 : i32
      %dma_wait3A_163 = arith.constant 0 : i32
      %dma_wait3A_164 = tpu.memref_slice %arg6[%dma_wait3A_162, %dma_wait3A_163] : memref<2048x16xf32, #tpu.memory_space<vmem>> -> memref<128x16xf32, #tpu.memory_space<vmem>>
      %dma_wait3A_165 = arith.constant 384 : i32
      %dma_wait3A_166 = tpu.memref_slice %arg5[%dma_wait3A_165] : memref<2048xi32, #tpu.memory_space<vmem>> -> memref<128xi32, #tpu.memory_space<vmem>>
      %dma_wait3A_167 = arith.constant 0 : i32
      %dma_wait3A_168 = arith.constant 0 : i32
      %dma_wait3A_169 = tpu.memref_slice %arg2[%dma_wait3A_167, %dma_wait3A_168] : memref<12x16xf32, #tpu.memory_space<hbm>> -> memref<12x16xf32, #tpu.memory_space<hbm>>
      tpu.wait_indirect_dma semaphore(%arg7 : memref<!tpu.dma_semaphore, #tpu.memory_space<semaphore_mem>>) src(%dma_wait3A_169 : memref<12x16xf32, #tpu.memory_space<hbm>>) dst(%dma_wait3A_164 : memref<128x16xf32, #tpu.memory_space<vmem>>)
      %dma_wait3A_170 = arith.constant 512 : i32
      %dma_wait3A_171 = arith.constant 0 : i32
      %dma_wait3A_172 = tpu.memref_slice %arg6[%dma_wait3A_170, %dma_wait3A_171] : memref<2048x16xf32, #tpu.memory_space<vmem>> -> memref<128x16xf32, #tpu.memory_space<vmem>>
      %dma_wait3A_173 = arith.constant 512 : i32
      %dma_wait3A_174 = tpu.memref_slice %arg5[%dma_wait3A_173] : memref<2048xi32, #tpu.memory_space<vmem>> -> memref<128xi32, #tpu.memory_space<vmem>>
      %dma_wait3A_175 = arith.constant 0 : i32
      %dma_wait3A_176 = arith.constant 0 : i32
      %dma_wait3A_177 = tpu.memref_slice %arg2[%dma_wait3A_175, %dma_wait3A_176] : memref<12x16xf32, #tpu.memory_space<hbm>> -> memref<12x16xf32, #tpu.memory_space<hbm>>
      tpu.wait_indirect_dma semaphore(%arg7 : memref<!tpu.dma_semaphore, #tpu.memory_space<semaphore_mem>>) src(%dma_wait3A_177 : memref<12x16xf32, #tpu.memory_space<hbm>>) dst(%dma_wait3A_172 : memref<128x16xf32, #tpu.memory_space<vmem>>)
      %dma_wait3A_178 = arith.constant 640 : i32
      %dma_wait3A_179 = arith.constant 0 : i32
      %dma_wait3A_180 = tpu.memref_slice %arg6[%dma_wait3A_178, %dma_wait3A_179] : memref<2048x16xf32, #tpu.memory_space<vmem>> -> memref<128x16xf32, #tpu.memory_space<vmem>>
      %dma_wait3A_181 = arith.constant 640 : i32
      %dma_wait3A_182 = tpu.memref_slice %arg5[%dma_wait3A_181] : memref<2048xi32, #tpu.memory_space<vmem>> -> memref<128xi32, #tpu.memory_space<vmem>>
      %dma_wait3A_183 = arith.constant 0 : i32
      %dma_wait3A_184 = arith.constant 0 : i32
      %dma_wait3A_185 = tpu.memref_slice %arg2[%dma_wait3A_183, %dma_wait3A_184] : memref<12x16xf32, #tpu.memory_space<hbm>> -> memref<12x16xf32, #tpu.memory_space<hbm>>
      tpu.wait_indirect_dma semaphore(%arg7 : memref<!tpu.dma_semaphore, #tpu.memory_space<semaphore_mem>>) src(%dma_wait3A_185 : memref<12x16xf32, #tpu.memory_space<hbm>>) dst(%dma_wait3A_180 : memref<128x16xf32, #tpu.memory_space<vmem>>)
      %dma_wait3A_186 = arith.constant 768 : i32
      %dma_wait3A_187 = arith.constant 0 : i32
      %dma_wait3A_188 = tpu.memref_slice %arg6[%dma_wait3A_186, %dma_wait3A_187] : memref<2048x16xf32, #tpu.memory_space<vmem>> -> memref<128x16xf32, #tpu.memory_space<vmem>>
      %dma_wait3A_189 = arith.constant 768 : i32
      %dma_wait3A_190 = tpu.memref_slice %arg5[%dma_wait3A_189] : memref<2048xi32, #tpu.memory_space<vmem>> -> memref<128xi32, #tpu.memory_space<vmem>>
      %dma_wait3A_191 = arith.constant 0 : i32
      %dma_wait3A_192 = arith.constant 0 : i32
      %dma_wait3A_193 = tpu.memref_slice %arg2[%dma_wait3A_191, %dma_wait3A_192] : memref<12x16xf32, #tpu.memory_space<hbm>> -> memref<12x16xf32, #tpu.memory_space<hbm>>
      tpu.wait_indirect_dma semaphore(%arg7 : memref<!tpu.dma_semaphore, #tpu.memory_space<semaphore_mem>>) src(%dma_wait3A_193 : memref<12x16xf32, #tpu.memory_space<hbm>>) dst(%dma_wait3A_188 : memref<128x16xf32, #tpu.memory_space<vmem>>)
      %dma_wait3A_194 = arith.constant 896 : i32
      %dma_wait3A_195 = arith.constant 0 : i32
      %dma_wait3A_196 = tpu.memref_slice %arg6[%dma_wait3A_194, %dma_wait3A_195] : memref<2048x16xf32, #tpu.memory_space<vmem>> -> memref<128x16xf32, #tpu.memory_space<vmem>>
      %dma_wait3A_197 = arith.constant 896 : i32
      %dma_wait3A_198 = tpu.memref_slice %arg5[%dma_wait3A_197] : memref<2048xi32, #tpu.memory_space<vmem>> -> memref<128xi32, #tpu.memory_space<vmem>>
      %dma_wait3A_199 = arith.constant 0 : i32
      %dma_wait3A_200 = arith.constant 0 : i32
      %dma_wait3A_201 = tpu.memref_slice %arg2[%dma_wait3A_199, %dma_wait3A_200] : memref<12x16xf32, #tpu.memory_space<hbm>> -> memref<12x16xf32, #tpu.memory_space<hbm>>
      tpu.wait_indirect_dma semaphore(%arg7 : memref<!tpu.dma_semaphore, #tpu.memory_space<semaphore_mem>>) src(%dma_wait3A_201 : memref<12x16xf32, #tpu.memory_space<hbm>>) dst(%dma_wait3A_196 : memref<128x16xf32, #tpu.memory_space<vmem>>)
      %dma_wait3A_202 = arith.constant 1024 : i32
      %dma_wait3A_203 = arith.constant 0 : i32
      %dma_wait3A_204 = tpu.memref_slice %arg6[%dma_wait3A_202, %dma_wait3A_203] : memref<2048x16xf32, #tpu.memory_space<vmem>> -> memref<128x16xf32, #tpu.memory_space<vmem>>
      %dma_wait3A_205 = arith.constant 1024 : i32
      %dma_wait3A_206 = tpu.memref_slice %arg5[%dma_wait3A_205] : memref<2048xi32, #tpu.memory_space<vmem>> -> memref<128xi32, #tpu.memory_space<vmem>>
      %dma_wait3A_207 = arith.constant 0 : i32
      %dma_wait3A_208 = arith.constant 0 : i32
      %dma_wait3A_209 = tpu.memref_slice %arg2[%dma_wait3A_207, %dma_wait3A_208] : memref<12x16xf32, #tpu.memory_space<hbm>> -> memref<12x16xf32, #tpu.memory_space<hbm>>
      tpu.wait_indirect_dma semaphore(%arg7 : memref<!tpu.dma_semaphore, #tpu.memory_space<semaphore_mem>>) src(%dma_wait3A_209 : memref<12x16xf32, #tpu.memory_space<hbm>>) dst(%dma_wait3A_204 : memref<128x16xf32, #tpu.memory_space<vmem>>)
      %dma_wait3A_210 = arith.constant 1152 : i32
      %dma_wait3A_211 = arith.constant 0 : i32
      %dma_wait3A_212 = tpu.memref_slice %arg6[%dma_wait3A_210, %dma_wait3A_211] : memref<2048x16xf32, #tpu.memory_space<vmem>> -> memref<128x16xf32, #tpu.memory_space<vmem>>
      %dma_wait3A_213 = arith.constant 1152 : i32
      %dma_wait3A_214 = tpu.memref_slice %arg5[%dma_wait3A_213] : memref<2048xi32, #tpu.memory_space<vmem>> -> memref<128xi32, #tpu.memory_space<vmem>>
      %dma_wait3A_215 = arith.constant 0 : i32
      %dma_wait3A_216 = arith.constant 0 : i32
      %dma_wait3A_217 = tpu.memref_slice %arg2[%dma_wait3A_215, %dma_wait3A_216] : memref<12x16xf32, #tpu.memory_space<hbm>> -> memref<12x16xf32, #tpu.memory_space<hbm>>
      tpu.wait_indirect_dma semaphore(%arg7 : memref<!tpu.dma_semaphore, #tpu.memory_space<semaphore_mem>>) src(%dma_wait3A_217 : memref<12x16xf32, #tpu.memory_space<hbm>>) dst(%dma_wait3A_212 : memref<128x16xf32, #tpu.memory_space<vmem>>)
      %dma_wait3A_218 = arith.constant 1280 : i32
      %dma_wait3A_219 = arith.constant 0 : i32
      %dma_wait3A_220 = tpu.memref_slice %arg6[%dma_wait3A_218, %dma_wait3A_219] : memref<2048x16xf32, #tpu.memory_space<vmem>> -> memref<128x16xf32, #tpu.memory_space<vmem>>
      %dma_wait3A_221 = arith.constant 1280 : i32
      %dma_wait3A_222 = tpu.memref_slice %arg5[%dma_wait3A_221] : memref<2048xi32, #tpu.memory_space<vmem>> -> memref<128xi32, #tpu.memory_space<vmem>>
      %dma_wait3A_223 = arith.constant 0 : i32
      %dma_wait3A_224 = arith.constant 0 : i32
      %dma_wait3A_225 = tpu.memref_slice %arg2[%dma_wait3A_223, %dma_wait3A_224] : memref<12x16xf32, #tpu.memory_space<hbm>> -> memref<12x16xf32, #tpu.memory_space<hbm>>
      tpu.wait_indirect_dma semaphore(%arg7 : memref<!tpu.dma_semaphore, #tpu.memory_space<semaphore_mem>>) src(%dma_wait3A_225 : memref<12x16xf32, #tpu.memory_space<hbm>>) dst(%dma_wait3A_220 : memref<128x16xf32, #tpu.memory_space<vmem>>)
      %dma_wait3A_226 = arith.constant 1408 : i32
      %dma_wait3A_227 = arith.constant 0 : i32
      %dma_wait3A_228 = tpu.memref_slice %arg6[%dma_wait3A_226, %dma_wait3A_227] : memref<2048x16xf32, #tpu.memory_space<vmem>> -> memref<128x16xf32, #tpu.memory_space<vmem>>
      %dma_wait3A_229 = arith.constant 1408 : i32
      %dma_wait3A_230 = tpu.memref_slice %arg5[%dma_wait3A_229] : memref<2048xi32, #tpu.memory_space<vmem>> -> memref<128xi32, #tpu.memory_space<vmem>>
      %dma_wait3A_231 = arith.constant 0 : i32
      %dma_wait3A_232 = arith.constant 0 : i32
      %dma_wait3A_233 = tpu.memref_slice %arg2[%dma_wait3A_231, %dma_wait3A_232] : memref<12x16xf32, #tpu.memory_space<hbm>> -> memref<12x16xf32, #tpu.memory_space<hbm>>
      tpu.wait_indirect_dma semaphore(%arg7 : memref<!tpu.dma_semaphore, #tpu.memory_space<semaphore_mem>>) src(%dma_wait3A_233 : memref<12x16xf32, #tpu.memory_space<hbm>>) dst(%dma_wait3A_228 : memref<128x16xf32, #tpu.memory_space<vmem>>)
      %dma_wait3A_234 = arith.constant 1536 : i32
      %dma_wait3A_235 = arith.constant 0 : i32
      %dma_wait3A_236 = tpu.memref_slice %arg6[%dma_wait3A_234, %dma_wait3A_235] : memref<2048x16xf32, #tpu.memory_space<vmem>> -> memref<128x16xf32, #tpu.memory_space<vmem>>
      %dma_wait3A_237 = arith.constant 1536 : i32
      %dma_wait3A_238 = tpu.memref_slice %arg5[%dma_wait3A_237] : memref<2048xi32, #tpu.memory_space<vmem>> -> memref<128xi32, #tpu.memory_space<vmem>>
      %dma_wait3A_239 = arith.constant 0 : i32
      %dma_wait3A_240 = arith.constant 0 : i32
      %dma_wait3A_241 = tpu.memref_slice %arg2[%dma_wait3A_239, %dma_wait3A_240] : memref<12x16xf32, #tpu.memory_space<hbm>> -> memref<12x16xf32, #tpu.memory_space<hbm>>
      tpu.wait_indirect_dma semaphore(%arg7 : memref<!tpu.dma_semaphore, #tpu.memory_space<semaphore_mem>>) src(%dma_wait3A_241 : memref<12x16xf32, #tpu.memory_space<hbm>>) dst(%dma_wait3A_236 : memref<128x16xf32, #tpu.memory_space<vmem>>)
      %dma_wait3A_242 = arith.constant 1664 : i32
      %dma_wait3A_243 = arith.constant 0 : i32
      %dma_wait3A_244 = tpu.memref_slice %arg6[%dma_wait3A_242, %dma_wait3A_243] : memref<2048x16xf32, #tpu.memory_space<vmem>> -> memref<128x16xf32, #tpu.memory_space<vmem>>
      %dma_wait3A_245 = arith.constant 1664 : i32
      %dma_wait3A_246 = tpu.memref_slice %arg5[%dma_wait3A_245] : memref<2048xi32, #tpu.memory_space<vmem>> -> memref<128xi32, #tpu.memory_space<vmem>>
      %dma_wait3A_247 = arith.constant 0 : i32
      %dma_wait3A_248 = arith.constant 0 : i32
      %dma_wait3A_249 = tpu.memref_slice %arg2[%dma_wait3A_247, %dma_wait3A_248] : memref<12x16xf32, #tpu.memory_space<hbm>> -> memref<12x16xf32, #tpu.memory_space<hbm>>
      tpu.wait_indirect_dma semaphore(%arg7 : memref<!tpu.dma_semaphore, #tpu.memory_space<semaphore_mem>>) src(%dma_wait3A_249 : memref<12x16xf32, #tpu.memory_space<hbm>>) dst(%dma_wait3A_244 : memref<128x16xf32, #tpu.memory_space<vmem>>)
      %dma_wait3A_250 = arith.constant 1792 : i32
      %dma_wait3A_251 = arith.constant 0 : i32
      %dma_wait3A_252 = tpu.memref_slice %arg6[%dma_wait3A_250, %dma_wait3A_251] : memref<2048x16xf32, #tpu.memory_space<vmem>> -> memref<128x16xf32, #tpu.memory_space<vmem>>
      %dma_wait3A_253 = arith.constant 1792 : i32
      %dma_wait3A_254 = tpu.memref_slice %arg5[%dma_wait3A_253] : memref<2048xi32, #tpu.memory_space<vmem>> -> memref<128xi32, #tpu.memory_space<vmem>>
      %dma_wait3A_255 = arith.constant 0 : i32
      %dma_wait3A_256 = arith.constant 0 : i32
      %dma_wait3A_257 = tpu.memref_slice %arg2[%dma_wait3A_255, %dma_wait3A_256] : memref<12x16xf32, #tpu.memory_space<hbm>> -> memref<12x16xf32, #tpu.memory_space<hbm>>
      tpu.wait_indirect_dma semaphore(%arg7 : memref<!tpu.dma_semaphore, #tpu.memory_space<semaphore_mem>>) src(%dma_wait3A_257 : memref<12x16xf32, #tpu.memory_space<hbm>>) dst(%dma_wait3A_252 : memref<128x16xf32, #tpu.memory_space<vmem>>)
      %dma_wait3A_258 = arith.constant 1920 : i32
      %dma_wait3A_259 = arith.constant 0 : i32
      %dma_wait3A_260 = tpu.memref_slice %arg6[%dma_wait3A_258, %dma_wait3A_259] : memref<2048x16xf32, #tpu.memory_space<vmem>> -> memref<128x16xf32, #tpu.memory_space<vmem>>
      %dma_wait3A_261 = arith.constant 1920 : i32
      %dma_wait3A_262 = tpu.memref_slice %arg5[%dma_wait3A_261] : memref<2048xi32, #tpu.memory_space<vmem>> -> memref<128xi32, #tpu.memory_space<vmem>>
      %dma_wait3A_263 = arith.constant 0 : i32
      %dma_wait3A_264 = arith.constant 0 : i32
      %dma_wait3A_265 = tpu.memref_slice %arg2[%dma_wait3A_263, %dma_wait3A_264] : memref<12x16xf32, #tpu.memory_space<hbm>> -> memref<12x16xf32, #tpu.memory_space<hbm>>
      tpu.wait_indirect_dma semaphore(%arg7 : memref<!tpu.dma_semaphore, #tpu.memory_space<semaphore_mem>>) src(%dma_wait3A_265 : memref<12x16xf32, #tpu.memory_space<hbm>>) dst(%dma_wait3A_260 : memref<128x16xf32, #tpu.memory_space<vmem>>)
      "tpu.region"() ({
        %run_scoped3A = tpu.sem_alloc : memref<!tpu.dma_semaphore, #tpu.memory_space<semaphore_mem>>
        %dma_start3A_266 = arith.constant 0 : i32
        %dma_start3A_267 = tpu.memref_slice %arg4[%add3A_11, %dma_start3A_266] : memref<4194304x16xf32, #tpu.memory_space<hbm>> -> memref<2048x16xf32, #tpu.memory_space<hbm>>
        %dma_start3A_268 = arith.constant 0 : i32
        %dma_start3A_269 = tpu.memref_slice %arg4[%add3A_11, %dma_start3A_268] : memref<4194304x16xf32, #tpu.memory_space<hbm>> -> memref<2048x16xf32, #tpu.memory_space<hbm>>
        tpu.enqueue_dma source(%arg6 : memref<2048x16xf32, #tpu.memory_space<vmem>>) target(%dma_start3A_269 : memref<2048x16xf32, #tpu.memory_space<hbm>>) target_semaphore(%run_scoped3A : memref<!tpu.dma_semaphore, #tpu.memory_space<semaphore_mem>>)
        %dma_wait3A_270 = arith.constant 0 : i32
        %dma_wait3A_271 = tpu.memref_slice %arg4[%add3A_11, %dma_wait3A_270] : memref<4194304x16xf32, #tpu.memory_space<hbm>> -> memref<2048x16xf32, #tpu.memory_space<hbm>>
        %dma_wait3A_272 = arith.constant 0 : i32
        %dma_wait3A_273 = tpu.memref_slice %arg4[%add3A_11, %dma_wait3A_272] : memref<4194304x16xf32, #tpu.memory_space<hbm>> -> memref<2048x16xf32, #tpu.memory_space<hbm>>
        tpu.wait_dma2 semaphore(%run_scoped3A : memref<!tpu.dma_semaphore, #tpu.memory_space<semaphore_mem>>) src(%arg6 : memref<2048x16xf32, #tpu.memory_space<vmem>>) dst(%dma_wait3A_273 : memref<2048x16xf32, #tpu.memory_space<hbm>>)
        tpu.yield
      }) : () -> ()
    }
    %scan3A_7 = arith.constant 64 : i32
    return
  }
}

</mosaic_0001>

<sc_bundles>
// kernel: kernel.3.cloned.1.call-start
scs
__scs_entry_jumppad:
0x0: {  	(pc) =	sbr.rel $0x88, $3  }
0x1: {  	(tag) =	ssettag $0x0;
	lr =	simm.s32 $0x1  }
0x2: {  	[smem:$0x3F9F] =	sst lr;
	_ =	strace $0xD0000000  }
0x3: {  	_ = 	snop  }
0x4: {  	_ = 	snop  }
0x5: {  	_ = 	snop  }
0x6: {  	_ = 	snop  }
0x7: {  	_ = 	snop  }
__scs_overlays_trampoline_lowered:
0x8: {  	[smem:$0x3FAE] =	sst s0  }
0x9: {  	[smem:$0x3FAF] =	sst s1  }
0xa: {  	[smem:$0x3FB0] =	sst s2  }
0xb: {  	[smem:$0x3FB1] =	sst s3  }
0xc: {  	[smem:$0x3FB2] =	sst s4  }
0xd: {  	[smem:$0x3FB3] =	sst s5  }
0xe: {  	[smem:$0x3FB4] =	sst s6  }
0xf: {  	[smem:$0x3FB5] =	sst s7  }
0x10: {  	[smem:$0x3FB6] =	sst s8  }
0x11: {  	[smem:$0x3FB7] =	sst s9;
	s0 =	simm.s32 @!p0 $0x0  }
0x12: {  	s1 =	sld [smem:$0x3F9D];
	s0 =	simm.s32 @p0 $0x1  }
0x13: {  	[smem:$0x3FB8] =	sst s0;
	s0 =	simm.s32 @!p1 $0x0  }
0x14: {  	s2 =	sld [smem:$0x3F9C];
	s0 =	simm.s32 @p1 $0x1  }
0x15: {  	[smem:$0x3FB9] =	sst s0;
	s0 =	simm.s32 @!p2 $0x0  }
0x16: {  	s3 =	sld [smem:$0x3FDB];
	s0 =	simm.s32 @p2 $0x1  }
0x17: {  	s4 =	simm.s32 $0x1BF5;
	[smem:$0x3FBB] =	sst s0  }
0x18: {  	s0 =	sld [smem:$0x3F9E];
	_ =	swait.ge [sflag:s4], $0x0  }
0x19: {  	s7 =	sld [smem:$0x3F9F]  }
0x1a: {  	s8 =	sadd.s32 $0xFFFFE003, lr  }
0x1b: {  	s9 =	sadd.s32 $0xFFFFFEF7, lr;
	s5 =	simm.s32 $0xFFFFFFFF;
	p2 =	slt.u32 s8, $0xFFFFF086  }
0x1c: {  	p1 =	slt.u32 s9, $0xF7A;
	s5 =	simm.s32 @!p2 $0x0  }
0x1d: {  	s5 =	simm.s32 @p1 $0x1;
	p0 =	seq.s32 s7, s2  }
0x1e: {  	s7 =	smul.u32 @!p0 $0xF7A, s2;
	p2 =	seq.s32 @!p0 s5, $0x0  }
0x1f: {  	s9 =	smul.u32 $0xF7A, s1;
	s8 =	simm.s32 @!p0 $0x1BF5;
	p2 =	por !p2, p0  }
0x20: {  	[sflag:s8] =	ssyncset.s32 @!p0 $0xFFFFF086;
	s6 =	sadd.s32 @!p0 s3, s7;
	s7 =	simm.s32 @!p0 $0x108  }
0x21: {  	s3 =	sadd.s32 s3, s9;
	s6 =	sadd.s32 @!p0 $0x88, s6;
	s7 =	simm.s32 @p2 $0x1082  }
0x22: {  	[simem:s7], [sflag:s8] =	dma.local @!p0 [hbm:s6], $0xF7A  }
0x23: {  	s9 =	sor.u32 $0xD0000000, s2;
	s6 =	simm.s32 $0x108;
	_ =	swait.ge @!p0 [sflag:s8], $0x0  }
0x24: {  	s3 =	sadd.s32 $0x88, s3;
	s6 =	simm.s32 @!p1 $0x1082;
	[sflag:s4] =	ssyncset.s32 $0xFFFFF086  }
0x25: {  	[simem:s6], [sflag:s4] =	dma.local [hbm:s3], $0xF7A  }
0x26: {  	[smem:$0x3F9F] =	sst s1;
	(tag) =	ssettag s2;
	_ =	strace s9  }
0x27: {  	s1 =	sld [smem:$0x3FAF]  }
0x28: {  	s2 =	sld [smem:$0x3FB0]  }
0x29: {  	s4 =	sld [smem:$0x3FB2]  }
0x2a: {  	p0 =	seq.s32 s5, $0x0;
	s5 =	sld [smem:$0x3FB3]  }
0x2b: {  	s6 =	sld [smem:$0x3FB4]  }
0x2c: {  	s7 =	sld [smem:$0x3FB5]  }
0x2d: {  	s3 =	simm.s32 $0x108;
	s8 =	sld [smem:$0x3FB6]  }
0x2e: {  	s3 =	simm.s32 @!p0 $0x1082;
	s9 =	sld [smem:$0x3FB7]  }
0x2f: {  	lr =	sadd.s32 s0, s3;
	s0 =	sld [smem:$0x3FAE]  }
0x30: {  	s3 =	sld [smem:$0x3FB1]  }
0x31: {  	[smem:$0x3FBA] =	sst s10  }
0x32: {  	s10 =	sld [smem:$0x3FB8];
	_ =	sdelay $0x3  }
0x33: {  	p0 =	seq.s32 s10, $0x1;
	s10 =	sld [smem:$0x3FBA];
	_ =	sdelay $0x3  }
0x34: {  	[smem:$0x3FBA] =	sst s10  }
0x35: {  	s10 =	sld [smem:$0x3FB9];
	_ =	sdelay $0x3  }
0x36: {  	p1 =	seq.s32 s10, $0x1;
	s10 =	sld [smem:$0x3FBA];
	_ =	sdelay $0x3  }
0x37: {  	[smem:$0x3FBA] =	sst s10  }
0x38: {  	s10 =	sld [smem:$0x3FBB]  }
0x39: {  	_ = 	snop;
	(pc) =	sbr.ind lr, $3  }
0x3a: {  	_ = 	snop  }
0x3b: {  	_ = 	snop  }
0x3c: {  	p2 =	seq.s32 s10, $0x1;
	s10 =	sld [smem:$0x3FBA]  }
0x3d: {  	_ =	shalt  }
0x3e: {  	_ =	shalt  }
0x3f: {  	_ =	shalt  }
0x40: {  	_ =	shalt  }
0x41: {  	_ =	shalt  }
0x42: {  	_ =	shalt  }
0x43: {  	_ =	shalt  }
0x44: {  	_ =	shalt  }
0x45: {  	_ =	shalt  }
0x46: {  	_ =	shalt  }
0x47: {  	_ =	shalt  }
0x48: {  	_ =	shalt  }
0x49: {  	_ =	shalt  }
0x4a: {  	_ =	shalt  }
0x4b: {  	_ =	shalt  }
0x4c: {  	_ =	shalt  }
0x4d: {  	_ =	shalt  }
0x4e: {  	_ =	shalt  }
0x4f: {  	_ =	shalt  }
0x50: {  	_ =	shalt  }
0x51: {  	_ =	shalt  }
0x52: {  	_ =	shalt  }
0x53: {  	_ =	shalt  }
0x54: {  	_ =	shalt  }
0x55: {  	_ =	shalt  }
0x56: {  	_ =	shalt  }
0x57: {  	_ =	shalt  }
0x58: {  	_ =	shalt  }
0x59: {  	_ =	shalt  }
0x5a: {  	_ =	shalt  }
0x5b: {  	_ =	shalt  }
0x5c: {  	_ =	shalt  }
0x5d: {  	_ =	shalt  }
0x5e: {  	_ =	shalt  }
0x5f: {  	_ =	shalt  }
0x60: {  	_ =	shalt  }
0x61: {  	_ =	shalt  }
0x62: {  	_ =	shalt  }
0x63: {  	_ =	shalt  }
0x64: {  	_ =	shalt  }
0x65: {  	_ =	shalt  }
0x66: {  	_ =	shalt  }
0x67: {  	_ =	shalt  }
0x68: {  	_ =	shalt  }
0x69: {  	_ =	shalt  }
0x6a: {  	_ =	shalt  }
0x6b: {  	_ =	shalt  }
0x6c: {  	_ =	shalt  }
0x6d: {  	_ =	shalt  }
0x6e: {  	_ =	shalt  }
0x6f: {  	_ =	shalt  }
0x70: {  	_ =	shalt  }
0x71: {  	_ =	shalt  }
0x72: {  	_ =	shalt  }
0x73: {  	_ =	shalt  }
0x74: {  	_ =	shalt  }
0x75: {  	_ =	shalt  }
0x76: {  	_ =	shalt  }
0x77: {  	_ =	shalt  }
0x78: {  	_ =	shalt  }
0x79: {  	_ =	shalt  }
0x7a: {  	_ =	shalt  }
0x7b: {  	_ =	shalt  }
0x7c: {  	_ =	shalt  }
0x7d: {  	_ =	shalt  }
0x7e: {  	_ =	shalt  }
0x7f: {  	_ =	shalt  }
0x80: {  	_ =	shalt  }
0x81: {  	_ =	shalt  }
0x82: {  	_ =	shalt  }
0x83: {  	_ =	shalt  }
0x84: {  	_ =	shalt  }
0x85: {  	_ =	shalt  }
0x86: {  	_ =	shalt  }
0x87: {  	_ =	shalt  }
.Lfunc_end0:
.L_simem_size_0:
called_computation.1_lowered:
.L_overlay_start_0:
0x88: {  	s2 =	sld [smem:$0x3FD9]  }
0x89: {  	s3 =	sld [smem:$0x3FFE];
	_ =	sdelay $0x1  }
0x8a: {  	s1 =	srdreg.scid  }
0x8b: {  	s0 =	sand.u32 $0x1, s1  }
0x8c: {  	s17 =	sshll.u32 s0, $0xA;
	s2 =	sadd.s32 s3, s2  }
0x8d: {  	s2 =	sadd.s32 s2, s17  }
0x8e: {  	[smem:$0x3FC6] =	sst s2  }
0x8f: {  	_ = 	snop  }
0x90: {  	s2 =	sld [smem:$0x3FD0];
	(tm) =	ssettm $0x1  }
0x91: {  	s18 =	sld [smem:$0x3FFB];
	_ =	sdelay $0x3  }
0x92: {  	_ =	strace s18  }
0x93: {  	s3 =	sld [smem:$0x3FFC];
	_ =	sdelay $0x3  }
0x94: {  	_ =	strace s3  }
0x95: {  	s3 =	sld [smem:$0x3FFD];
	_ =	sdelay $0x3  }
0x96: {  	_ =	strace s3  }
0x97: {  	_ =	strace $0x8FFFFFFF  }
0x98: {  	s19 =	sld [smem:$0x3FDB];
	_ =	sdelay $0x1  }
0x99: {  	s4 =	simm.s32 $_scs_section_size  }
0x9a: {  	s5 =	simm.s32 $_size__tile_overlayer_lowered;
	s6 =	simm.s32 $_tile_overlayer_lowered  }
0x9b: {  	s22 =	simm.s32 $0x1BFF;
	s21 =	sshll.u32 s6, $0x1;
	s3 =	sadd.s32 s4, s19  }
0x9c: {  	s7 =	simm.s32 $0x0;
	s20 =	sshll.u32 s5, $0x1;
	s5 =	sadd.s32 s21, s3  }
0x9d: {  	[timem:s7], [sflag:s22] =	dma.local [hbm:s5], s20  }
0x9e: {  	_ =	swait.ge [sflag:s22], s20  }
0x9f: {  	s4 =	ssub.s32 $0x0, s20;
	[sflag:s22] =	ssyncset.done $0x0  }
0xa0: {  	[sflag:s22] =	ssyncadd.s32 s4;
	_ =	sdelay $0x1  }
0xa1: {  	s23 =	simm.s32 $0x1B8B  }
0xa2: {  	_ =	swait.ge [sflag:s23], $0x1  }
0xa3: {  	[sflag:s23] =	ssyncset.done $0x0  }
0xa4: {  	s25 =	simm.s32 $0x1B8E;
	s24 =	sld [smem:$0x3FFE];
	[sflag:s23] =	ssyncadd.s32 $0xFFFFFFFF  }
0xa5: {  	s26 =	simm.s32 $execute0_lowered;
	[smem:$0x3FD2] =	sst s25  }
0xa6: {  	s5 =	sshll.u32 s26, $0x1;
	_ =	strace $0x80000046;
	[dreg:$0x1] =	wrdreg $0xFFFFFFFF  }
0xa7: {  	s28 =	simm.s32 $_size_execute0_lowered;
	s3 =	sadd.s32 s3, s5;
	[dreg:$0x0] =	wrdreg $0x0  }
0xa8: {  	s5 =	sshll.u32 s28, $0x1;
	[dreg:$0x2] =	wrdreg s3  }
0xa9: {  	[dreg:$0x3] =	wrdreg s5  }
0xaa: {  	[dreg:$0x4] =	wrdreg $0xC0  }
0xab: {  	_ =	task [dreg:s7], $0x5FFFF  }
0xac: {  	[dreg:$0x1] =	wrdreg $0xFFFFFFFF  }
0xad: {  	[dreg:$0x0] =	wrdreg $0x60  }
0xae: {  	[dreg:$0x2] =	wrdreg s24  }
0xaf: {  	[dreg:$0x3] =	wrdreg s2  }
0xb0: {  	[dreg:$0x4] =	wrdreg $0x9  }
0xb1: {  	_ =	task.clear_ibuf [dreg:s7], $0x5FFFF;
	_ =	strace $0x90000046  }
0xb2: {  	s29 =	simm.s32 $0x9;
	_ =	strace $0x80000048  }
0xb3: {  	_ =	swait.ge [sflag:s29], $0x1  }
0xb4: {  	[sflag:s29] =	ssyncadd.s32 $0xFFFFFFFF  }
0xb5: {  	_ =	strace $0x90000048  }
0xb6: {  	_ =	sfence  }
0xb7: {  	s30 =	sld [smem:$0x0];
	_ =	sdelay $0x2  }
0xb8: {  	s31 =	sshll.u32 s1, $0xD;
	s1 =	sshrl.u32 s1, $0x2  }
0xb9: {  	s3 =	sand.u32 $0x4000, s31;
	s1 =	sadd.s32 s1, s30  }
0xba: {  	s0 =	sor.u32 s3, s0;
	s1 =	sshll.u32 s1, $0x11  }
0xbb: {  	s0 =	sor.u32 s1, s0  }
0xbc: {  	s0 =	sadd.s32 $0x8F2B, s0  }
0xbd: {  	[sflag:s0] =	ssyncadd.remote.s32 $0x1  }
0xbe: {  	_ =	sfence.sel $0xFFFF  }
0xbf: {  	[dreg:$0x0] =	wrdreg $0xFFFFFFFF;
	(pc) =	sbr.abs _section_cstart, $3  }
0xc0: {  	[dreg:$0x1] =	wrdreg $0xFFFFFFFF  }
0xc1: {  	_ =	task.clear_ibuf [dreg:s7], $0x2FFFF;
	_ =	strace $0x9FFFFFFF  }
0xc2: {  	(tm) =	ssettm $0x7FFFFFFF  }
0xc3: {  	_ =	shalt  }
tec
execute0_lowered:
.L_overlay_start_1:
0x0: {  	(tag) =	ssettag $0x1  }
0x1: {  	s0 =	srdreg.scid  }
0x2: {  	s1 =	rddreg [dreg:$0x0];
	s7 =	stileid.u32  }
0x3: {  	s4 =	rddreg [dreg:$0x1];
	s2 =	simm.s32 $0x0;
	s18 =	simm.s32 $0x1000  }
0x4: {  	s19 =	simm.s32 $0x100;
	s20 =	simm.s32 $0x1800;
	s22 =	simm.s32 $0x180  }
0x5: {  	s23 =	simm.s32 $0x2000;
	s24 =	simm.s32 $0x200;
	s25 =	simm.s32 $0x2800  }
0x6: {  	s26 =	simm.s32 $0x280;
	s31 =	simm.s32 $0x3000;
	s8 =	simm.s32 $0x800  }
0x7: {  	s9 =	simm.s32 $0x300;
	s10 =	simm.s32 $0x3800;
	[smem:$0x7FF] =	sst s2  }
0x8: {  	s11 =	simm.s32 $0x380;
	_ =	strace $0x80000047;
	[dreg:$0x4] =	wrdreg s18  }
0x9: {  	s12 =	simm.s32 $0x4000;
	s13 =	simm.s32 $0x400;
	[dreg:$0x5] =	wrdreg s19  }
0xa: {  	s14 =	simm.s32 $0x4800;
	s15 =	simm.s32 $0x480;
	[dreg:$0x6] =	wrdreg s20  }
0xb: {  	s28 =	simm.s32 $0x780;
	s29 =	simm.s32 $0x8000;
	[dreg:$0x7] =	wrdreg s22  }
0xc: {  	s30 =	simm.s32 $0x1;
	s0 =	sand.u32 $0x1, s0;
	[dreg:$0x8] =	wrdreg s23  }
0xd: {  	s3 =	sshll.u32 s7, $0x12;
	s21 =	sshll.u32 s7, $0x13;
	[dreg:$0x9] =	wrdreg s24  }
0xe: {  	s7 =	simm.s32 $0x80;
	s5 =	sshll.u32 s0, $0x11;
	[dreg:$0xa] =	wrdreg s25  }
0xf: {  	s17 =	ssub.s32 $0x2, s0;
	s4 =	sadd.s32 s21, s4;
	[dreg:$0xb] =	wrdreg s26  }
0x10: {  	s0 =	sshll.u32 s0, $0x12;
	[dreg:$0xc] =	wrdreg s31;
	s18 =	simm.s32 $0x5800  }
0x11: {  	s19 =	simm.s32 $0x580;
	s20 =	simm.s32 $0x6000;
	s21 =	simm.s32 $0x600  }
0x12: {  	s22 =	simm.s32 $0x6800;
	s23 =	simm.s32 $0x680;
	s24 =	simm.s32 $0x7000  }
0x13: {  	s25 =	simm.s32 $0x700;
	s26 =	simm.s32 $0x7800;
	s3 =	sor.u32 s5, s3  }
0x14: {  	s6 =	sshrl.u32 s17, $0x1;
	s0 =	sadd.s32 s0, s4;
	s3 =	sshrl.u32 s3, $0x3  }
0x15: {  	[dreg:$0xe] =	wrdreg s0;
	s16 =	sadd.s32 s3, s1;
	s3 =	sadd.s32 $0x800, s1  }
0x16: {  	s1 =	ssub.s32 s17, s6;
	s6 =	simm.s32 $0x2;
	s5 =	sadd.s32 $0xA00, s16  }
0x17: {  	s17 =	simm.s32 $0x500;
	s1 =	smax.u32 s1, $0x1;
	[dreg:$0x3] =	wrdreg s5  }
0x18: {  	s16 =	simm.s32 $0x5000;
	[dreg:$0xd] =	wrdreg s1;
	s1 =	simm.s32 $0x0  }
.LBB2_1:
0x19: {  	s0 =	rddreg [dreg:$0x3]  }
0x1a: {  	[dreg:$0xf] =	wrdreg s1;
	s0 =	sadd.s32 $0x0, s0  }
0x1b: {  	[tilespmem:s2], [sflag:$0x2] =	stream.linear.gather [hbm4b:s0+s2], $0x800, $0x38;
	[tilespmem:$0x8800] =	vst v63  }
0x1c: {  	_ =	swait.ge [sflag:s6], $0x800  }
0x1d: {  	s0 =	rddreg [dreg:$0x5]  }
0x1e: {  	[sflag:s6] =	ssyncset.done $0x0;
	s31 =	rddreg [dreg:$0x4]  }
0x1f: {  	s5 =	rddreg [dreg:$0x6];
	[sflag:s6] =	ssyncadd.s32 $0xFFFFF800  }
0x20: {  	[tilespmem:s8], [sflag:$0x1] =	stream.indirect.gather [hbm4b:s3+s7], $0x10, s2, s7, $0xb8;
	[tilespmem:$0x8800] =	vst v63  }
0x21: {  	s4 =	rddreg [dreg:$0x8]  }
0x22: {  	[tilespmem:s31], [sflag:$0x1] =	stream.indirect.gather [hbm4b:s3+s7], $0x10, s7, s7, $0xb8;
	[tilespmem:$0x8800] =	vst v63  }
0x23: {  	s31 =	rddreg [dreg:$0x7]  }
0x24: {  	[tilespmem:s5], [sflag:$0x1] =	stream.indirect.gather [hbm4b:s3+s7], $0x10, s0, s7, $0xb8;
	[tilespmem:$0x8800] =	vst v63  }
0x25: {  	s0 =	rddreg [dreg:$0xa]  }
0x26: {  	s5 =	rddreg [dreg:$0x9]  }
0x27: {  	[tilespmem:s4], [sflag:$0x1] =	stream.indirect.gather [hbm4b:s3+s7], $0x10, s31, s7, $0xb8;
	[tilespmem:$0x8800] =	vst v63  }
0x28: {  	s4 =	rddreg [dreg:$0xc]  }
0x29: {  	[tilespmem:s0], [sflag:$0x1] =	stream.indirect.gather [hbm4b:s3+s7], $0x10, s5, s7, $0xb8;
	[tilespmem:$0x8800] =	vst v63  }
0x2a: {  	s31 =	rddreg [dreg:$0xb]  }
0x2b: {  	[tilespmem:s4], [sflag:$0x1] =	stream.indirect.gather [hbm4b:s3+s7], $0x10, s31, s7, $0xb8;
	[tilespmem:$0x8800] =	vst v63  }
0x2c: {  	_ = 	snop  }
0x2d: {  	[tilespmem:s10], [sflag:$0x1] =	stream.indirect.gather [hbm4b:s3+s7], $0x10, s9, s7, $0xb8;
	[tilespmem:$0x8800] =	vst v63  }
0x2e: {  	_ = 	snop  }
0x2f: {  	[tilespmem:s12], [sflag:$0x1] =	stream.indirect.gather [hbm4b:s3+s7], $0x10, s11, s7, $0xb8;
	[tilespmem:$0x8800] =	vst v63  }
0x30: {  	_ = 	snop  }
0x31: {  	[tilespmem:s14], [sflag:$0x1] =	stream.indirect.gather [hbm4b:s3+s7], $0x10, s13, s7, $0xb8;
	[tilespmem:$0x8800] =	vst v63  }
0x32: {  	_ = 	snop  }
0x33: {  	[tilespmem:s16], [sflag:$0x1] =	stream.indirect.gather [hbm4b:s3+s7], $0x10, s15, s7, $0xb8;
	[tilespmem:$0x8800] =	vst v63  }
0x34: {  	_ = 	snop  }
0x35: {  	[tilespmem:s18], [sflag:$0x1] =	stream.indirect.gather [hbm4b:s3+s7], $0x10, s17, s7, $0xb8;
	[tilespmem:$0x8800] =	vst v63  }
0x36: {  	_ = 	snop  }
0x37: {  	[tilespmem:s20], [sflag:$0x1] =	stream.indirect.gather [hbm4b:s3+s7], $0x10, s19, s7, $0xb8;
	[tilespmem:$0x8800] =	vst v63  }
0x38: {  	_ = 	snop  }
0x39: {  	[tilespmem:s22], [sflag:$0x1] =	stream.indirect.gather [hbm4b:s3+s7], $0x10, s21, s7, $0xb8;
	[tilespmem:$0x8800] =	vst v63  }
0x3a: {  	_ = 	snop  }
0x3b: {  	[tilespmem:s24], [sflag:$0x1] =	stream.indirect.gather [hbm4b:s3+s7], $0x10, s23, s7, $0xb8;
	[tilespmem:$0x8800] =	vst v63  }
0x3c: {  	_ = 	snop  }
0x3d: {  	[tilespmem:s26], [sflag:$0x1] =	stream.indirect.gather [hbm4b:s3+s7], $0x10, s25, s7, $0xb8;
	[tilespmem:$0x8800] =	vst v63  }
0x3e: {  	_ = 	snop  }
0x3f: {  	[tilespmem:s29], [sflag:$0x1] =	stream.indirect.gather [hbm4b:s3+s7], $0x10, s28, s7, $0xb8;
	[tilespmem:$0x8800] =	vst v63  }
0x40: {  	_ =	swait.ge [sflag:s30], $0x800  }
0x41: {  	[sflag:s30] =	ssyncset.done $0x0  }
0x42: {  	[sflag:s30] =	ssyncadd.s32 $0xFFFFF800  }
0x43: {  	_ =	swait.ge [sflag:s30], $0x800  }
0x44: {  	[sflag:s30] =	ssyncset.done $0x0  }
0x45: {  	[sflag:s30] =	ssyncadd.s32 $0xFFFFF800  }
0x46: {  	_ =	swait.ge [sflag:s30], $0x800  }
0x47: {  	[sflag:s30] =	ssyncset.done $0x0  }
0x48: {  	[sflag:s30] =	ssyncadd.s32 $0xFFFFF800  }
0x49: {  	_ =	swait.ge [sflag:s30], $0x800  }
0x4a: {  	[sflag:s30] =	ssyncset.done $0x0  }
0x4b: {  	[sflag:s30] =	ssyncadd.s32 $0xFFFFF800  }
0x4c: {  	_ =	swait.ge [sflag:s30], $0x800  }
0x4d: {  	[sflag:s30] =	ssyncset.done $0x0  }
0x4e: {  	[sflag:s30] =	ssyncadd.s32 $0xFFFFF800  }
0x4f: {  	_ =	swait.ge [sflag:s30], $0x800  }
0x50: {  	[sflag:s30] =	ssyncset.done $0x0  }
0x51: {  	[sflag:s30] =	ssyncadd.s32 $0xFFFFF800  }
0x52: {  	_ =	swait.ge [sflag:s30], $0x800  }
0x53: {  	[sflag:s30] =	ssyncset.done $0x0  }
0x54: {  	[sflag:s30] =	ssyncadd.s32 $0xFFFFF800  }
0x55: {  	_ =	swait.ge [sflag:s30], $0x800  }
0x56: {  	[sflag:s30] =	ssyncset.done $0x0  }
0x57: {  	[sflag:s30] =	ssyncadd.s32 $0xFFFFF800  }
0x58: {  	_ =	swait.ge [sflag:s30], $0x800  }
0x59: {  	[sflag:s30] =	ssyncset.done $0x0  }
0x5a: {  	[sflag:s30] =	ssyncadd.s32 $0xFFFFF800  }
0x5b: {  	_ =	swait.ge [sflag:s30], $0x800  }
0x5c: {  	[sflag:s30] =	ssyncset.done $0x0  }
0x5d: {  	[sflag:s30] =	ssyncadd.s32 $0xFFFFF800  }
0x5e: {  	_ =	swait.ge [sflag:s30], $0x800  }
0x5f: {  	[sflag:s30] =	ssyncset.done $0x0  }
0x60: {  	[sflag:s30] =	ssyncadd.s32 $0xFFFFF800  }
0x61: {  	_ =	swait.ge [sflag:s30], $0x800  }
0x62: {  	[sflag:s30] =	ssyncset.done $0x0  }
0x63: {  	[sflag:s30] =	ssyncadd.s32 $0xFFFFF800  }
0x64: {  	_ =	swait.ge [sflag:s30], $0x800  }
0x65: {  	[sflag:s30] =	ssyncset.done $0x0  }
0x66: {  	[sflag:s30] =	ssyncadd.s32 $0xFFFFF800  }
0x67: {  	_ =	swait.ge [sflag:s30], $0x800  }
0x68: {  	[sflag:s30] =	ssyncset.done $0x0  }
0x69: {  	[sflag:s30] =	ssyncadd.s32 $0xFFFFF800  }
0x6a: {  	_ =	swait.ge [sflag:s30], $0x800  }
0x6b: {  	[sflag:s30] =	ssyncset.done $0x0  }
0x6c: {  	[sflag:s30] =	ssyncadd.s32 $0xFFFFF800  }
0x6d: {  	_ =	swait.ge [sflag:s30], $0x800  }
0x6e: {  	[sflag:s30] =	ssyncset.done $0x0;
	s5 =	rddreg [dreg:$0xe]  }
0x6f: {  	s1 =	simm.s32 $0x100;
	[sflag:s30] =	ssyncadd.s32 $0xFFFFF800;
	s0 =	sadd.s32 $0x1000, s5  }
.LBB2_2:
0x70: {  	[hbm4b:s5+s2] =	stream.linear.scatter [tilespmem:s8], [sflag:$0x2], $0x8000, $0x38;
	[tilespmem:$0x8800] =	vst v63  }
0x71: {  	_ =	swait.ge [sflag:s6], $0x8000  }
0x72: {  	s4 =	smov.u32 s1;
	s31 =	rddreg [dreg:$0x3];
	[sflag:s6] =	ssyncset.done $0x0  }
0x73: {  	[sflag:s6] =	ssyncadd.s32 $0xFFFF8000;
	s4 =	sadd.s32 s4, s31  }
0x74: {  	[tilespmem:s2], [sflag:$0x2] =	stream.linear.gather [hbm4b:s4+s2], $0x800, $0x38;
	[tilespmem:$0x8800] =	vst v63  }
0x75: {  	_ =	swait.ge [sflag:s6], $0x800  }
0x76: {  	s4 =	rddreg [dreg:$0xc]  }
0x77: {  	s31 =	rddreg [dreg:$0xa]  }
0x78: {  	[sflag:s6] =	ssyncset.done $0x0;
	s9 =	rddreg [dreg:$0x5]  }
0x79: {  	s10 =	rddreg [dreg:$0x4];
	[sflag:s6] =	ssyncadd.s32 $0xFFFFF800  }
0x7a: {  	[tilespmem:s8], [sflag:$0x1] =	stream.indirect.gather [hbm4b:s3+s7], $0x10, s2, s7, $0xb8;
	[tilespmem:$0x8800] =	vst v63  }
0x7b: {  	s11 =	rddreg [dreg:$0x6]  }
0x7c: {  	[tilespmem:s10], [sflag:$0x1] =	stream.indirect.gather [hbm4b:s3+s7], $0x10, s7, s7, $0xb8;
	[tilespmem:$0x8800] =	vst v63  }
0x7d: {  	s12 =	rddreg [dreg:$0x8]  }
0x7e: {  	[tilespmem:s11], [sflag:$0x1] =	stream.indirect.gather [hbm4b:s3+s7], $0x10, s9, s7, $0xb8;
	[tilespmem:$0x8800] =	vst v63  }
0x7f: {  	s10 =	rddreg [dreg:$0x7]  }
0x80: {  	[tilespmem:s12], [sflag:$0x1] =	stream.indirect.gather [hbm4b:s3+s7], $0x10, s10, s7, $0xb8;
	[tilespmem:$0x8800] =	vst v63  }
0x81: {  	s9 =	rddreg [dreg:$0x9]  }
0x82: {  	[tilespmem:s31], [sflag:$0x1] =	stream.indirect.gather [hbm4b:s3+s7], $0x10, s9, s7, $0xb8;
	[tilespmem:$0x8800] =	vst v63  }
0x83: {  	s10 =	rddreg [dreg:$0xb]  }
0x84: {  	[tilespmem:s4], [sflag:$0x1] =	stream.indirect.gather [hbm4b:s3+s7], $0x10, s10, s7, $0xb8;
	[tilespmem:$0x8800] =	vst v63  }
0x85: {  	s9 =	simm.s32 $0x300;
	s10 =	simm.s32 $0x3800  }
0x86: {  	[tilespmem:s10], [sflag:$0x1] =	stream.indirect.gather [hbm4b:s3+s7], $0x10, s9, s7, $0xb8;
	[tilespmem:$0x8800] =	vst v63  }
0x87: {  	s11 =	simm.s32 $0x380;
	s12 =	simm.s32 $0x4000  }
0x88: {  	[tilespmem:s12], [sflag:$0x1] =	stream.indirect.gather [hbm4b:s3+s7], $0x10, s11, s7, $0xb8;
	[tilespmem:$0x8800] =	vst v63  }
0x89: {  	_ = 	snop  }
0x8a: {  	[tilespmem:s14], [sflag:$0x1] =	stream.indirect.gather [hbm4b:s3+s7], $0x10, s13, s7, $0xb8;
	[tilespmem:$0x8800] =	vst v63  }
0x8b: {  	_ = 	snop  }
0x8c: {  	[tilespmem:s16], [sflag:$0x1] =	stream.indirect.gather [hbm4b:s3+s7], $0x10, s15, s7, $0xb8;
	[tilespmem:$0x8800] =	vst v63  }
0x8d: {  	_ = 	snop  }
0x8e: {  	[tilespmem:s18], [sflag:$0x1] =	stream.indirect.gather [hbm4b:s3+s7], $0x10, s17, s7, $0xb8;
	[tilespmem:$0x8800] =	vst v63  }
0x8f: {  	_ = 	snop  }
0x90: {  	[tilespmem:s20], [sflag:$0x1] =	stream.indirect.gather [hbm4b:s3+s7], $0x10, s19, s7, $0xb8;
	[tilespmem:$0x8800] =	vst v63  }
0x91: {  	_ = 	snop  }
0x92: {  	[tilespmem:s22], [sflag:$0x1] =	stream.indirect.gather [hbm4b:s3+s7], $0x10, s21, s7, $0xb8;
	[tilespmem:$0x8800] =	vst v63  }
0x93: {  	_ = 	snop  }
0x94: {  	[tilespmem:s24], [sflag:$0x1] =	stream.indirect.gather [hbm4b:s3+s7], $0x10, s23, s7, $0xb8;
	[tilespmem:$0x8800] =	vst v63  }
0x95: {  	_ = 	snop  }
0x96: {  	[tilespmem:s26], [sflag:$0x1] =	stream.indirect.gather [hbm4b:s3+s7], $0x10, s25, s7, $0xb8;
	[tilespmem:$0x8800] =	vst v63  }
0x97: {  	_ = 	snop  }
0x98: {  	[tilespmem:s29], [sflag:$0x1] =	stream.indirect.gather [hbm4b:s3+s7], $0x10, s28, s7, $0xb8;
	[tilespmem:$0x8800] =	vst v63  }
0x99: {  	_ =	swait.ge [sflag:s30], $0x800  }
0x9a: {  	[sflag:s30] =	ssyncset.done $0x0  }
0x9b: {  	[sflag:s30] =	ssyncadd.s32 $0xFFFFF800  }
0x9c: {  	_ =	swait.ge [sflag:s30], $0x800  }
0x9d: {  	[sflag:s30] =	ssyncset.done $0x0  }
0x9e: {  	[sflag:s30] =	ssyncadd.s32 $0xFFFFF800  }
0x9f: {  	_ =	swait.ge [sflag:s30], $0x800  }
0xa0: {  	[sflag:s30] =	ssyncset.done $0x0  }
0xa1: {  	[sflag:s30] =	ssyncadd.s32 $0xFFFFF800  }
0xa2: {  	_ =	swait.ge [sflag:s30], $0x800  }
0xa3: {  	[sflag:s30] =	ssyncset.done $0x0  }
0xa4: {  	[sflag:s30] =	ssyncadd.s32 $0xFFFFF800  }
0xa5: {  	_ =	swait.ge [sflag:s30], $0x800  }
0xa6: {  	[sflag:s30] =	ssyncset.done $0x0  }
0xa7: {  	[sflag:s30] =	ssyncadd.s32 $0xFFFFF800  }
0xa8: {  	_ =	swait.ge [sflag:s30], $0x800  }
0xa9: {  	[sflag:s30] =	ssyncset.done $0x0  }
0xaa: {  	[sflag:s30] =	ssyncadd.s32 $0xFFFFF800  }
0xab: {  	_ =	swait.ge [sflag:s30], $0x800  }
0xac: {  	[sflag:s30] =	ssyncset.done $0x0  }
0xad: {  	[sflag:s30] =	ssyncadd.s32 $0xFFFFF800  }
0xae: {  	_ =	swait.ge [sflag:s30], $0x800  }
0xaf: {  	[sflag:s30] =	ssyncset.done $0x0  }
0xb0: {  	[sflag:s30] =	ssyncadd.s32 $0xFFFFF800  }
0xb1: {  	_ =	swait.ge [sflag:s30], $0x800  }
0xb2: {  	[sflag:s30] =	ssyncset.done $0x0  }
0xb3: {  	[sflag:s30] =	ssyncadd.s32 $0xFFFFF800  }
0xb4: {  	_ =	swait.ge [sflag:s30], $0x800  }
0xb5: {  	[sflag:s30] =	ssyncset.done $0x0  }
0xb6: {  	[sflag:s30] =	ssyncadd.s32 $0xFFFFF800  }
0xb7: {  	_ =	swait.ge [sflag:s30], $0x800  }
0xb8: {  	[sflag:s30] =	ssyncset.done $0x0  }
0xb9: {  	[sflag:s30] =	ssyncadd.s32 $0xFFFFF800  }
0xba: {  	_ =	swait.ge [sflag:s30], $0x800  }
0xbb: {  	[sflag:s30] =	ssyncset.done $0x0  }
0xbc: {  	[sflag:s30] =	ssyncadd.s32 $0xFFFFF800  }
0xbd: {  	_ =	swait.ge [sflag:s30], $0x800  }
0xbe: {  	[sflag:s30] =	ssyncset.done $0x0  }
0xbf: {  	[sflag:s30] =	ssyncadd.s32 $0xFFFFF800  }
0xc0: {  	_ =	swait.ge [sflag:s30], $0x800  }
0xc1: {  	[sflag:s30] =	ssyncset.done $0x0  }
0xc2: {  	[sflag:s30] =	ssyncadd.s32 $0xFFFFF800  }
0xc3: {  	p0 =	sne.s32 s1, $0x3F00;
	_ =	swait.ge [sflag:s30], $0x800  }
.Ltmp0:
0xc4: {  	[sflag:s30] =	ssyncset.done $0x0;
	(pc) =	sbr.rel @p0 .LBB2_2-.Ltmp0, $4  }
0xc5: {  	[sflag:s30] =	ssyncadd.s32 $0xFFFFF800  }
0xc6: {  	_ =	swait.ge [sflag:s30], $0x800  }
0xc7: {  	s5 =	smov.u32 s0;
	[sflag:s30] =	ssyncset.done $0x0  }
0xc8: {  	s1 =	sadd.s32 $0x100, s1;
	s0 =	sadd.s32 $0x1000, s0;
	[sflag:s30] =	ssyncadd.s32 $0xFFFFF800  }
0xc9: {  	[hbm4b:s5+s2] =	stream.linear.scatter [tilespmem:s8], [sflag:$0x2], $0x8000, $0x38;
	[tilespmem:$0x8800] =	vst v63  }
0xca: {  	_ =	swait.ge [sflag:s6], $0x8000  }
0xcb: {  	s1 =	rddreg [dreg:$0xf]  }
0xcc: {  	s0 =	rddreg [dreg:$0xd];
	s1 =	sadd.s32 $0x1, s1  }
0xcd: {  	p0 =	sne.s32 s1, s0  }
.Ltmp1:
0xce: {  	_ = 	snop;
	(pc) =	sbr.rel @p0 .LBB2_1-.Ltmp1, $3  }
0xcf: {  	_ =	sdelay $0x1  }
0xd0: {  	[sflag:s6] =	ssyncset.done $0x0  }
0xd1: {  	[sflag:s6] =	ssyncadd.s32 $0xFFFF8000  }
0xd2: {  	_ =	sfence.sel $0x180000  }
0xd3: {  	[bflag:$0x0] =	sbarrier.arrive $0xFFFF  }
0xd4: {  	_ =	strace $0x90000047  }
0xd5: {  	s0 =	stileid.u32;
	[bflag:$0x2] =	sbarrier.arrive $0xFFFF  }
0xd6: {  	p0 =	sne.s32 s0, $0x0;
	s0 =	rddreg [dreg:$0x2]  }
0xd7: {  	s0 =	sadd.s32 @!p0 $0x100000, s0  }
0xd8: {  	[sflag:s0] =	ssyncadd.tile.s32 @!p0 $0x1;
	_ =	shalt  }
.Lfunc_end2:
_tile_overlayer_lowered:
.L_overlay_start_2:
0xd9: {  	(tag) =	ssettag $0x2  }
0xda: {  	s0 =	rddreg [dreg:$0x0];
	s2 =	stileid.u32  }
0xdb: {  	s1 =	rddreg [dreg:$0x1];
	p0 =	sne.s32 s2, $0x0  }
0xdc: {  	s3 =	rddreg [dreg:$0x2];
	[bflag:$0x3] =	sbarrier.arrive $0xFFFF;
	s2 =	simm.s32 @!p0 $0x1C02  }
0xdd: {  	[timem:s3], [sflag:s2] =	dma.local @!p0 [hbm:s0], s1  }
0xde: {  	s0 =	simm.s32 @!p0 $0x2  }
0xdf: {  	_ =	swait.ge @!p0 [sflag:s0], s1  }
0xe0: {  	s1 =	ssub.s32 @!p0 $0x0, s1;
	[sflag:s0] =	ssyncset.done @!p0 $0x0  }
0xe1: {  	[sflag:s0] =	ssyncadd.s32 @!p0 s1  }
0xe2: {  	[bflag:$0x3] =	sbarrier.arrive $0xFFFF  }
0xe3: {  	_ =	shalt  }

// kernel: sparse-core-data-format-call.cloned.1.call-start
scs
called_computation_lowered:
.L_overlay_start_0:
0x0: {  	s2 =	sld [smem:$0x3FD9]  }
0x1: {  	s3 =	sld [smem:$0x3FFE];
	_ =	sdelay $0x1  }
0x2: {  	s1 =	srdreg.scid  }
0x3: {  	s0 =	sand.u32 $0x1, s1  }
0x4: {  	s18 =	sshll.u32 s0, $0xA;
	s2 =	sadd.s32 s3, s2  }
0x5: {  	s2 =	sadd.s32 s2, s18  }
0x6: {  	[smem:$0x3FC6] =	sst s2  }
0x7: {  	_ = 	snop  }
0x8: {  	s2 =	sld [smem:$0x3FD0];
	(tm) =	ssettm $0x1  }
0x9: {  	s19 =	sld [smem:$0x3FFB];
	_ =	sdelay $0x3  }
0xa: {  	_ =	strace s19  }
0xb: {  	s3 =	sld [smem:$0x3FFC];
	_ =	sdelay $0x3  }
0xc: {  	_ =	strace s3  }
0xd: {  	s3 =	sld [smem:$0x3FFD];
	_ =	sdelay $0x3  }
0xe: {  	_ =	strace s3  }
0xf: {  	_ =	strace $0x8FFFFFFF  }
0x10: {  	s20 =	sld [smem:$0x3FDB];
	_ =	sdelay $0x1  }
0x11: {  	s4 =	simm.s32 $_scs_section_size  }
0x12: {  	s5 =	simm.s32 $_size__tile_overlayer_lowered;
	s6 =	simm.s32 $_tile_overlayer_lowered  }
0x13: {  	s23 =	simm.s32 $0x1BFF;
	s22 =	sshll.u32 s6, $0x1;
	s3 =	sadd.s32 s4, s20  }
0x14: {  	s7 =	simm.s32 $0x0;
	s21 =	sshll.u32 s5, $0x1;
	s5 =	sadd.s32 s22, s3  }
0x15: {  	[timem:s7], [sflag:s23] =	dma.local [hbm:s5], s21  }
0x16: {  	_ =	swait.ge [sflag:s23], s21  }
0x17: {  	s4 =	ssub.s32 $0x0, s21;
	[sflag:s23] =	ssyncset.done $0x0  }
0x18: {  	[sflag:s23] =	ssyncadd.s32 s4;
	_ =	sdelay $0x1  }
0x19: {  	s24 =	simm.s32 $0x1B8B  }
0x1a: {  	_ =	swait.ge [sflag:s24], $0x1  }
0x1b: {  	[sflag:s24] =	ssyncset.done $0x0  }
0x1c: {  	s26 =	simm.s32 $0x1B8E;
	s25 =	sld [smem:$0x3FFE];
	[sflag:s24] =	ssyncadd.s32 $0xFFFFFFFF  }
0x1d: {  	s27 =	simm.s32 $execute0_lowered;
	[smem:$0x3FD2] =	sst s26  }
0x1e: {  	s5 =	sshll.u32 s27, $0x1;
	_ =	strace $0x80000049;
	[dreg:$0x1] =	wrdreg $0xFFFFFFFF  }
0x1f: {  	s28 =	simm.s32 $_size_execute0_lowered;
	s3 =	sadd.s32 s3, s5;
	[dreg:$0x0] =	wrdreg $0x0  }
0x20: {  	s5 =	sshll.u32 s28, $0x1;
	[dreg:$0x2] =	wrdreg s3  }
0x21: {  	[dreg:$0x3] =	wrdreg s5  }
0x22: {  	[dreg:$0x4] =	wrdreg $0xC0  }
0x23: {  	_ =	task [dreg:s7], $0x5FFFF  }
0x24: {  	[dreg:$0x1] =	wrdreg $0xFFFFFFFF  }
0x25: {  	[dreg:$0x0] =	wrdreg $0x60  }
0x26: {  	[dreg:$0x2] =	wrdreg s25  }
0x27: {  	[dreg:$0x3] =	wrdreg s2  }
0x28: {  	[dreg:$0x4] =	wrdreg $0x9  }
0x29: {  	_ =	task.clear_ibuf [dreg:s7], $0x5FFFF;
	_ =	strace $0x90000049  }
0x2a: {  	s29 =	simm.s32 $0x9;
	_ =	strace $0x8000004B  }
0x2b: {  	_ =	swait.ge [sflag:s29], $0x1  }
0x2c: {  	[sflag:s29] =	ssyncadd.s32 $0xFFFFFFFF  }
0x2d: {  	_ =	strace $0x9000004B  }
0x2e: {  	_ =	sfence  }
0x2f: {  	s30 =	sld [smem:$0x0];
	_ =	sdelay $0x2  }
0x30: {  	s31 =	sshll.u32 s1, $0xD;
	s1 =	sshrl.u32 s1, $0x2  }
0x31: {  	s3 =	sand.u32 $0x4000, s31;
	s1 =	sadd.s32 s1, s30  }
0x32: {  	s0 =	sor.u32 s3, s0;
	s1 =	sshll.u32 s1, $0x11  }
0x33: {  	s0 =	sor.u32 s1, s0  }
0x34: {  	s0 =	sadd.s32 $0x8F2B, s0  }
0x35: {  	[sflag:s0] =	ssyncadd.remote.s32 $0x1  }
0x36: {  	_ =	sfence.sel $0xFFFF  }
0x37: {  	[dreg:$0x0] =	wrdreg $0xFFFFFFFF;
	(pc) =	sbr.abs _section_cstart, $3  }
0x38: {  	[dreg:$0x1] =	wrdreg $0xFFFFFFFF  }
0x39: {  	_ =	task.clear_ibuf [dreg:s7], $0x2FFFF;
	_ =	strace $0x9FFFFFFF  }
0x3a: {  	(tm) =	ssettm $0x7FFFFFFF  }
0x3b: {  	_ =	shalt  }
tec
execute0_lowered:
.L_overlay_start_1:
0x0: {  	(tag) =	ssettag $0x1  }
0x1: {  	s13 =	rddreg [dreg:$0x0]  }
0x2: {  	s0 =	srdreg.scid;
	s2 =	rddreg [dreg:$0x1]  }
0x3: {  	s4 =	simm.s32 $0x1;
	s7 =	simm.s32 $0x2;
	s19 =	simm.s32 $0x0  }
0x4: {  	s15 =	simm.s32 $0x800;
	s20 =	simm.s32 $0x0;
	s16 =	simm.s32 $0x0  }
0x5: {  	s18 =	simm.s32 $0x0;
	s1 =	sshll.u32 s0, $0x4;
	s0 =	stileid.u32  }
0x6: {  	s9 =	sadd.s32 $0x3800, s13;
	s10 =	sadd.s32 $0x4800, s13;
	s1 =	sand.u32 $0x10, s1  }
0x7: {  	s11 =	sadd.s32 $0x5800, s13;
	s12 =	sadd.s32 $0x6800, s13;
	s1 =	sor.u32 s0, s1  }
0x8: {  	s3 =	sshll.u32 s1, $0x3;
	s1 =	rddreg [dreg:$0x2];
	_ =	strace $0x8000004A  }
0x9: {  	s5 =	ssub.s32 $0x4000, s3;
	[sflag:s4] =	ssyncpa.u1 $0x0;
	s17 =	smov.u32 s3  }
.Ltmp0:
0xa: {  	s6 =	sand.u32 $0xF8, s5;
	s8 =	sshrl.u32 s5, $0x8;
	(pc) =	sbr.rel .LBB1_1-.Ltmp0, $4  }
0xb: {  	s5 =	sadd.s32 $0x800, s13;
	p0 =	sne.s32 s6, $0x0;
	s6 =	simm.s32 $0x1  }
0xc: {  	[sflag:s7] =	ssyncpa.u1 $0x0;
	s7 =	sadd.s32 $0x1800, s13;
	s6 =	simm.s32 @!p0 $0x0  }
0xd: {  	p0 =	por $0x0, $0x0;
	s14 =	sadd.s32 s6, s8;
	s8 =	sadd.s32 $0x2800, s13  }
0xe: {  	s13 =	sadd.s32 $0x7800, s13;
	s6 =	sshll.u32 s14, $0x1;
	s14 =	sshllo.u32 s14, $0x1  }
.LBB1_7:
0xf: {  	s21 =	sadd.s32 $0x80, s16  }
0x10: {  	s19 =	sadd.s32 $0x100, s17;
	s23 =	smov.u32 s17;
	p2 =	sgt.s32 s21, $0xFF  }
0x11: {  	s23 =	smov.u32 @p2 s19  }
0x12: {  	s21 =	simm.s32 @p2 $0x0;
	p2 =	sgt.s32 s23, $0x3FFF  }
0x13: {  	s23 =	smov.u32 @p2 s3;
	p2 =	sne.s32 s18, s14  }
.Ltmp1:
0x14: {  	p1 =	slt.u32 s18, $0x2;
	(pc) =	sbr.rel @!p2 .LBB1_8-.Ltmp1, $4  }
0x15: {  	s22 =	simm.s32 @!p1 $0x2  }
0x16: {  	s20 =	smov.u32 s17;
	p0 =	por !p0, !p0;
	_ =	swait.ge @!p1 [sflag:s22], $0x4000  }
0x17: {  	s19 =	smov.u32 s16;
	[sflag:s22] =	ssyncset.done @!p1 $0x0;
	s16 =	smov.u32 s21  }
0x18: {  	s18 =	sadd.s32 $0x1, s18;
	[sflag:s22] =	ssyncadd.s32 @!p1 $0xFFFFC000;
	s17 =	smov.u32 s23  }
.LBB1_1:
0x19: {  	p1 =	sge.u32 s18, s6  }
0x1a: {  	s21 =	sxor.u32 @!p1 $0xFFFFFFFF, s18  }
0x1b: {  	s22 =	sshll.u32 @!p1 s17, $0xC;
	s23 =	sshll.u32 @!p1 s16, $0x4;
	s25 =	simm.s32 @!p1 $0x10  }
0x1c: {  	s21 =	sshll.u32 @!p1 s21, $0xE;
	s23 =	sand.u32 @!p1 $0xFF0, s23;
	s24 =	sadd.s32 @!p1 s5, s22  }
0x1d: {  	s26 =	simm.s32 @!p1 $0x80;
	s21 =	sand.u32 @!p1 $0x4000, s21;
	s24 =	sadd.s32 @!p1 s23, s24  }
0x1e: {  	[tilespmem:s21], [sflag:$0x1] =	stream.strided.gather @!p1 [hbm4b:s24+s25], $0x800, s26, s25, $0x38;
	[tilespmem:$0x10100] =	vst v63  }
0x1f: {  	s24 =	sadd.s32 @!p1 s22, s7  }
0x20: {  	s27 =	sor.u32 @!p1 $0x800, s21;
	s24 =	sadd.s32 @!p1 s23, s24  }
0x21: {  	[tilespmem:s27], [sflag:$0x1] =	stream.strided.gather @!p1 [hbm4b:s24+s25], $0x800, s26, s25, $0x38;
	[tilespmem:$0x10100] =	vst v63  }
0x22: {  	s24 =	sadd.s32 @!p1 s22, s8  }
0x23: {  	s27 =	sor.u32 @!p1 $0x1000, s21;
	s24 =	sadd.s32 @!p1 s23, s24  }
0x24: {  	[tilespmem:s27], [sflag:$0x1] =	stream.strided.gather @!p1 [hbm4b:s24+s25], $0x800, s26, s25, $0x38;
	[tilespmem:$0x10100] =	vst v63  }
0x25: {  	s24 =	sadd.s32 @!p1 s22, s9  }
0x26: {  	s27 =	sor.u32 @!p1 $0x1800, s21;
	s24 =	sadd.s32 @!p1 s23, s24  }
0x27: {  	[tilespmem:s27], [sflag:$0x1] =	stream.strided.gather @!p1 [hbm4b:s24+s25], $0x800, s26, s25, $0x38;
	[tilespmem:$0x10100] =	vst v63  }
0x28: {  	s24 =	sadd.s32 @!p1 s22, s10  }
0x29: {  	s27 =	sor.u32 @!p1 $0x2000, s21;
	s24 =	sadd.s32 @!p1 s23, s24  }
0x2a: {  	[tilespmem:s27], [sflag:$0x1] =	stream.strided.gather @!p1 [hbm4b:s24+s25], $0x800, s26, s25, $0x38;
	[tilespmem:$0x10100] =	vst v63  }
0x2b: {  	s24 =	sadd.s32 @!p1 s22, s11  }
0x2c: {  	s27 =	sor.u32 @!p1 $0x2800, s21;
	s24 =	sadd.s32 @!p1 s23, s24  }
0x2d: {  	[tilespmem:s27], [sflag:$0x1] =	stream.strided.gather @!p1 [hbm4b:s24+s25], $0x800, s26, s25, $0x38;
	[tilespmem:$0x10100] =	vst v63  }
0x2e: {  	s24 =	sadd.s32 @!p1 s22, s12  }
0x2f: {  	s27 =	sor.u32 @!p1 $0x3000, s21;
	s22 =	sadd.s32 @!p1 s22, s13;
	s24 =	sadd.s32 @!p1 s23, s24  }
0x30: {  	[tilespmem:s27], [sflag:$0x1] =	stream.strided.gather @!p1 [hbm4b:s24+s25], $0x800, s26, s25, $0x38;
	[tilespmem:$0x10100] =	vst v63  }
0x31: {  	s31 =	sadd.s32 $0xFFFFFFFF, s18;
	s21 =	sor.u32 @!p1 $0x3800, s21;
	s22 =	sadd.s32 @!p1 s23, s22  }
0x32: {  	[tilespmem:s21], [sflag:$0x1] =	stream.strided.gather @!p1 [hbm4b:s22+s25], $0x800, s26, s25, $0x38;
	[tilespmem:$0x10100] =	vst v63  }
0x33: {  	p1 =	sge.u32 s31, s6  }
.Ltmp2:
0x34: {  	_ = 	snop;
	(pc) =	sbr.rel @p1 .LBB1_7-.Ltmp2, $1  }
0x35: {  	_ =	sdelay $0x3  }
0x36: {  	s21 =	simm.s32 $0x1;
	s23 =	sand.u32 $0x1, s18  }
0x37: {  	_ =	swait.ge [sflag:s4], $0x4000;
	s21 =	simm.s32 @!p0 $0x0;
	s24 =	smul.u32 $0x10200, s23  }
0x38: {  	[sflag:s4] =	ssyncset.done $0x0;
	s22 =	smul.u32 $0x10200, s21  }
0x39: {  	s21 =	sshll.u32 s21, $0xE;
	[sflag:s4] =	ssyncadd.s32 $0xFFFFC000  }
0x3a: {  	s23 =	sor.u32 $0x40, s21;
	s31 =	sshrl.u32 s24, $0x2;
	s22 =	sshrl.u32 s22, $0x2  }
0x3b: {  	s24 =	simm.s32 $0x0;
	s21 =	sor.u32 $0x8000, s31;
	s22 =	sor.u32 $0x8007, s22  }
.LBB1_3:
0x3c: {  	v3 =	vld [tilespmem:s23+$0x30]  }
0x3d: {  	v4 =	vld [tilespmem:s23+$0xFFFFFFD0]  }
0x3e: {  	v5 =	vld [tilespmem:s23+$0xFFFFFFE0]  }
0x3f: {  	v1 =	vld [tilespmem:s23+$0xFFFFFFF0]  }
0x40: {  	v0 =	vld [tilespmem:s23+$0x0]  }
0x41: {  	v2 =	vld [tilespmem:s23+$0x10];
	[tilespmem:s22+$0x0 ss:$0x81] =	vst.msk $0xffff, v3  }
0x42: {  	[tilespmem:s22+$0xFFFFFFFA ss:$0x81] =	vst.msk $0xffff, v4;
	v4 =	vld [tilespmem:s23+$0x20]  }
0x43: {  	s26 =	simm.s32 $0x0;
	s27 =	sadd.s32 $0x80, s23;
	s25 =	smov.u32 s22;
	v3 =	vld [tilespmem:s23+$0xFFFFFFC0];
	[tilespmem:s22+$0xFFFFFFFB ss:$0x81] =	vst.msk $0xffff, v5  }
.LBB1_4:
0x44: {  	v5 =	vld [tilespmem:s27+$0x30];
	s26 =	sadd.s32 $0x8, s26;
	[tilespmem:s25+$0xFFFFFFFC ss:$0x81] =	vst.msk $0xffff, v1  }
0x45: {  	v6 =	vld [tilespmem:s27+$0xFFFFFFD0];
	p1 =	slt.u32 s26, $0x78;
	[tilespmem:s25+$0xFFFFFFFD ss:$0x81] =	vst.msk $0xffff, v0  }
0x46: {  	v7 =	vld [tilespmem:s27+$0xFFFFFFE0];
	[tilespmem:s25+$0xFFFFFFFE ss:$0x81] =	vst.msk $0xffff, v2  }
.Ltmp3:
0x47: {  	v1 =	vld [tilespmem:s27+$0xFFFFFFF0];
	[tilespmem:s25+$0xFFFFFFFF ss:$0x81] =	vst.msk $0xffff, v4;
	(pc) =	sbr.rel @p1 .LBB1_4-.Ltmp3, $4  }
0x48: {  	v0 =	vld [tilespmem:s27+$0x0];
	[tilespmem:s25+$0xFFFFFFF9 ss:$0x81] =	vst.msk $0xffff, v3;
	s25 =	sadd.s32 $0x8, s25  }
0x49: {  	v2 =	vld [tilespmem:s27+$0x10];
	[tilespmem:s25+$0x0 ss:$0x81] =	vst.msk $0xffff, v5  }
0x4a: {  	[tilespmem:s25+$0xFFFFFFFA ss:$0x81] =	vst.msk $0xffff, v6;
	v4 =	vld [tilespmem:s27+$0x20]  }
0x4b: {  	v3 =	vld [tilespmem:s27+$0xFFFFFFC0];
	[tilespmem:s25+$0xFFFFFFFB ss:$0x81] =	vst.msk $0xffff, v7;
	s27 =	sadd.s32 $0x80, s27  }
0x4c: {  	s24 =	sadd.s32 $0x1, s24  }
0x4d: {  	p1 =	sne.s32 s24, $0x8  }
.Ltmp4:
0x4e: {  	[tilespmem:s25+$0xFFFFFFFC ss:$0x81] =	vst.msk $0xffff, v1;
	(pc) =	sbr.rel @p1 .LBB1_3-.Ltmp4, $4  }
0x4f: {  	[tilespmem:s25+$0xFFFFFFFD ss:$0x81] =	vst.msk $0xffff, v0  }
0x50: {  	[tilespmem:s25+$0xFFFFFFFE ss:$0x81] =	vst.msk $0xffff, v2  }
0x51: {  	[tilespmem:s25+$0xFFFFFFFF ss:$0x81] =	vst.msk $0xffff, v4  }
0x52: {  	s22 =	sadd.s32 $0x810, s22;
	s23 =	sadd.s32 $0x800, s23;
	[tilespmem:s25+$0xFFFFFFF9 ss:$0x81] =	vst.msk $0xffff, v3  }
.Ltmp5:
0x53: {  	s22 =	sand.u32 $0x180, s19;
	s20 =	sshll.u32 s20, $0x9;
	(pc) =	sbr.rel .LBB1_7-.Ltmp5, $4  }
0x54: {  	s23 =	sshrl.u32 s19, $0x3;
	s31 =	sand.u32 $0x7, s19;
	s20 =	sadd.s32 s2, s20  }
0x55: {  	s23 =	sand.u32 $0xF, s23;
	s19 =	sshll.u32 s31, $0x12;
	s20 =	sadd.s32 s22, s20  }
0x56: {  	s19 =	sor.u32 $0x400, s19;
	s20 =	sadd.s32 s23, s20  }
0x57: {  	[hbm4b:s20+s19] =	stream.strided.scatter [tilespmem:s21], [sflag:$0x2], $0x4000, s15, s19, $0x20;
	[tilespmem:$0x10100] =	vst v63  }
.LBB1_8:
0x58: {  	_ =	sfence.sel $0x180000  }
0x59: {  	s2 =	simm.s32 $0x1;
	[bflag:$0x0] =	sbarrier.arrive $0xFFFF  }
0x5a: {  	s31 =	simm.s32 $0x2;
	[sflag:s2] =	ssyncpa.u1 $0x1  }
0x5b: {  	[sflag:s31] =	ssyncpa.u1 $0x1  }
0x5c: {  	p0 =	sne.s32 s0, $0x0;
	_ =	strace $0x9000004A  }
0x5d: {  	s0 =	sadd.s32 @!p0 $0x100000, s1;
	[bflag:$0x2] =	sbarrier.arrive $0xFFFF  }
0x5e: {  	[sflag:s0] =	ssyncadd.tile.s32 @!p0 $0x1;
	_ =	shalt  }
.Lfunc_end1:
_tile_overlayer_lowered:
.L_overlay_start_2:
0x5f: {  	(tag) =	ssettag $0x2  }
0x60: {  	s0 =	rddreg [dreg:$0x0];
	s2 =	stileid.u32  }
0x61: {  	s1 =	rddreg [dreg:$0x1];
	p0 =	sne.s32 s2, $0x0  }
0x62: {  	s3 =	rddreg [dreg:$0x2];
	[bflag:$0x3] =	sbarrier.arrive $0xFFFF;
	s2 =	simm.s32 @!p0 $0x1C01  }
0x63: {  	[timem:s3], [sflag:s2] =	dma.local @!p0 [hbm:s0], s1  }
0x64: {  	s0 =	simm.s32 @!p0 $0x1  }
0x65: {  	_ =	swait.ge @!p0 [sflag:s0], s1  }
0x66: {  	s1 =	ssub.s32 @!p0 $0x0, s1;
	[sflag:s0] =	ssyncset.done @!p0 $0x0  }
0x67: {  	[sflag:s0] =	ssyncadd.s32 @!p0 s1  }
0x68: {  	[bflag:$0x3] =	sbarrier.arrive $0xFFFF  }
0x69: {  	_ =	shalt  }

</sc_bundles>
